<compile_context>
chip_gen: v7x
topology: tpu7x:2x2x1
jax: 0.10.2.dev20260603
libtpu: 0.0.44.dev20260713+nightly
codegen_flags: <defaults>
</compile_context>

<pallas_src>
import jax
import jax.numpy as jnp
from jax import lax
from jax.experimental import pallas as pl
from jax.experimental.pallas import tpu as pltpu
from jax.experimental.pallas import tpu_sc as plsc

_VOCAB = 100000
_D = 64
_B = 1024 * 20 * 50

_NC = 2
_NS = 16
_NW = _NC * _NS

_PER_W = _B // _NW
_CH = 128
_N_CH = _PER_W // _CH
_K = 5
_GROUP = _K * _CH
_NG = _N_CH // _K


def _body(idx_hbm, table_hbm, out_hbm, idx_v, rows0, rows1,
          g0s, g1s, w0s, w1s):
    wid = lax.axis_index("s") * _NC + lax.axis_index("c")
    base = wid * _PER_W
    pltpu.sync_copy(idx_hbm.at[wid], idx_v)

    def fire_g(g, rows, sem):
        for b in range(_K):
            pltpu.async_copy(table_hbm.at[idx_v.at[g * _K + b]],
                             rows.at[pl.ds(b * _CH, _CH)], sem)

    def drain_g(g, rows, sem):
        for b in range(_K):
            pltpu.make_async_copy(table_hbm.at[idx_v.at[g * _K + b]],
                                  rows.at[pl.ds(b * _CH, _CH)], sem).wait()

    def fire_w(g, rows, sem):
        pltpu.async_copy(rows, out_hbm.at[pl.ds(base + g * _GROUP, _GROUP)],
                         sem)

    def drain_w(g, rows, sem):
        pltpu.make_async_copy(rows,
                              out_hbm.at[pl.ds(base + g * _GROUP, _GROUP)],
                              sem).wait()

    fire_g(0, rows0, g0s)
    drain_g(0, rows0, g0s)
    fire_g(1, rows1, g1s)
    fire_w(0, rows0, w0s)

    def pair(t, carry):
        ga = 2 * t + 1
        gb = 2 * t + 2
        drain_g(ga, rows1, g1s)
        drain_w(ga - 1, rows0, w0s)
        fire_g(gb, rows0, g0s)
        fire_w(ga, rows1, w1s)
        drain_g(gb, rows0, g0s)
        drain_w(gb - 1, rows1, w1s)
        fire_g(gb + 1, rows1, g1s)
        fire_w(gb, rows0, w0s)
        return carry

    lax.fori_loop(0, _NG // 2 - 1, pair, 0)

    drain_g(_NG - 1, rows1, g1s)
    drain_w(_NG - 2, rows0, w0s)
    fire_w(_NG - 1, rows1, w1s)
    drain_w(_NG - 1, rows1, w1s)


@jax.jit
def _gather(idx, table):
    mesh = plsc.VectorSubcoreMesh(
        core_axis_name="c", subcore_axis_name="s",
        num_cores=_NC, num_subcores=_NS)
    f = pl.kernel(
        _body,
        out_type=jax.ShapeDtypeStruct((_B, _D), jnp.float32),
        mesh=mesh,
        scratch_types=[
            pltpu.VMEM((_N_CH, _CH), jnp.int32),
            pltpu.VMEM((_GROUP, _D), jnp.float32),
            pltpu.VMEM((_GROUP, _D), jnp.float32),
            pltpu.SemaphoreType.DMA,
            pltpu.SemaphoreType.DMA,
            pltpu.SemaphoreType.DMA,
            pltpu.SemaphoreType.DMA,
        ],
        compiler_params=pltpu.CompilerParams(use_tc_tiling_on_sc=False),
    )
    return f(idx, table)


def kernel(X, pad_vector, embedding_table):
    idx = X.reshape(_NW, _N_CH, _CH).astype(jnp.int32)
    out = _gather(idx, embedding_table)
    return out.reshape(X.shape + (_D,))

# --- scband reference (transcript-rebuilt; emitter-appended) ---
"""Pipeline reference for scband-doc-sen-model-4604204941410 (READ-ONLY COPY).

The authoritative reference and input builder live on the scoring server;
editing this copy changes nothing except your own understanding.
"""

import jax, jax.numpy as jnp
import numpy as np

VOCAB = 100000
EMB_DIM = 64
BATCH = 1024
N_SENT = 20
N_WORD = 50


def setup_inputs(seed: int = 0) -> dict:
    key = jax.random.key(seed)
    k1, k2 = jax.random.split(key)
    X = jax.random.randint(k1, (BATCH, N_SENT, N_WORD), 0, VOCAB)
    pad_vector = jnp.zeros((EMB_DIM,), dtype=jnp.float32)
    # Pretrained (frozen) embedding matrix, materialized per init_kwargs shape [VOCAB, EMB_DIM]
    embedding_table = jax.random.normal(k2, (VOCAB, EMB_DIM), dtype=jnp.float32)
    return {"X": X, "pad_vector": pad_vector, "embedding_table": embedding_table}


def reference(X, pad_vector, embedding_table):
    # Faithful translation of DocSenModel.forward:
    #   X = self._word_embedding(X)  -> gather rows of the pretrained table
    #   The subsequent per-document loop (pack_padded_sequence with random lengths)
    #   has no effect on the returned value (loop body ends in `pass`),
    #   so the forward output is exactly the embedded tensor.
    emb = jnp.take(embedding_table, X, axis=0)  # [B, S, W, D]
    return emb

if __name__ == "__main__":
    import jax
    _d = setup_inputs()
    print(jax.jit(kernel)(*tuple(_d.values())))

</pallas_src>

<mosaic_0001>
#map = affine_map<(d0, d1) -> (0, 0, 0)>
#map1 = affine_map<(d0, d1) -> (0, 0)>
module attributes {stable_mosaic.version = 14 : i64} {
  func.func @_body(%arg0: i32, %arg1: i32, %arg2: memref<32x250x128xi32, #tpu.memory_space<hbm>>, %arg3: memref<100000x64xf32, #tpu.memory_space<hbm>>, %arg4: memref<1024000x64xf32, #tpu.memory_space<hbm>>, %arg5: memref<250x128xi32, #tpu.memory_space<vmem>>, %arg6: memref<640x64xf32, #tpu.memory_space<vmem>>, %arg7: memref<640x64xf32, #tpu.memory_space<vmem>>, %arg8: memref<!tpu.dma_semaphore, #tpu.memory_space<semaphore_mem>>, %arg9: memref<!tpu.dma_semaphore, #tpu.memory_space<semaphore_mem>>, %arg10: memref<!tpu.dma_semaphore, #tpu.memory_space<semaphore_mem>>, %arg11: memref<!tpu.dma_semaphore, #tpu.memory_space<semaphore_mem>>) attributes {dimension_semantics = [#tpu.dimension_semantics<core_parallel>, #tpu.dimension_semantics<subcore_parallel>], iteration_bounds = array<i64: 2, 16>, scalar_prefetch = 0 : i64, scratch_operands = 7 : i64, tpu.core_type = #tpu.core_type<sc_vector_subcore>, window_params = [{transform_indices = #map}, {transform_indices = #map1}, {transform_indices = #map1}]} {
    %mul3A = arith.constant 2 : i32
    %mul3A_0 = arith.muli %arg1, %mul3A : i32
    %add3A = arith.addi %mul3A_0, %arg0 : i32
    %mul3A_1 = arith.constant 32000 : i32
    %mul3A_2 = arith.muli %add3A, %mul3A_1 : i32
    "tpu.region"() ({
      %run_scoped3A = tpu.sem_alloc : memref<!tpu.dma_semaphore, #tpu.memory_space<semaphore_mem>>
      %dma_start3A_230 = arith.constant 0 : i32
      %dma_start3A_231 = arith.constant 0 : i32
      %dma_start3A_232 = tpu.memref_slice %arg2[%add3A, %dma_start3A_230, %dma_start3A_231] : memref<32x250x128xi32, #tpu.memory_space<hbm>> -> memref<1x250x128xi32, #tpu.memory_space<hbm>>
      %dma_start3A_233 = tpu.memref_squeeze %dma_start3A_232 : memref<1x250x128xi32, #tpu.memory_space<hbm>> -> memref<250x128xi32, #tpu.memory_space<hbm>>
      %dma_start3A_234 = arith.constant 0 : i32
      %dma_start3A_235 = arith.constant 0 : i32
      %dma_start3A_236 = tpu.memref_slice %arg2[%add3A, %dma_start3A_234, %dma_start3A_235] : memref<32x250x128xi32, #tpu.memory_space<hbm>> -> memref<1x250x128xi32, #tpu.memory_space<hbm>>
      %dma_start3A_237 = tpu.memref_squeeze %dma_start3A_236 : memref<1x250x128xi32, #tpu.memory_space<hbm>> -> memref<250x128xi32, #tpu.memory_space<hbm>>
      tpu.enqueue_dma source(%dma_start3A_237 : memref<250x128xi32, #tpu.memory_space<hbm>>) target(%arg5 : memref<250x128xi32, #tpu.memory_space<vmem>>) target_semaphore(%run_scoped3A : memref<!tpu.dma_semaphore, #tpu.memory_space<semaphore_mem>>)
      %dma_wait3A_238 = arith.constant 0 : i32
      %dma_wait3A_239 = arith.constant 0 : i32
      %dma_wait3A_240 = tpu.memref_slice %arg2[%add3A, %dma_wait3A_238, %dma_wait3A_239] : memref<32x250x128xi32, #tpu.memory_space<hbm>> -> memref<1x250x128xi32, #tpu.memory_space<hbm>>
      %dma_wait3A_241 = tpu.memref_squeeze %dma_wait3A_240 : memref<1x250x128xi32, #tpu.memory_space<hbm>> -> memref<250x128xi32, #tpu.memory_space<hbm>>
      %dma_wait3A_242 = arith.constant 0 : i32
      %dma_wait3A_243 = arith.constant 0 : i32
      %dma_wait3A_244 = tpu.memref_slice %arg2[%add3A, %dma_wait3A_242, %dma_wait3A_243] : memref<32x250x128xi32, #tpu.memory_space<hbm>> -> memref<1x250x128xi32, #tpu.memory_space<hbm>>
      %dma_wait3A_245 = tpu.memref_squeeze %dma_wait3A_244 : memref<1x250x128xi32, #tpu.memory_space<hbm>> -> memref<250x128xi32, #tpu.memory_space<hbm>>
      tpu.wait_dma2 semaphore(%run_scoped3A : memref<!tpu.dma_semaphore, #tpu.memory_space<semaphore_mem>>) src(%dma_wait3A_245 : memref<250x128xi32, #tpu.memory_space<hbm>>) dst(%arg5 : memref<250x128xi32, #tpu.memory_space<vmem>>)
      tpu.yield
    }) : () -> ()
    %dma_start3A = arith.constant 0 : i32
    %dma_start3A_3 = arith.constant 0 : i32
    %dma_start3A_4 = arith.constant 0 : i32
    %dma_start3A_5 = tpu.memref_slice %arg6[%dma_start3A_3, %dma_start3A_4] : memref<640x64xf32, #tpu.memory_space<vmem>> -> memref<128x64xf32, #tpu.memory_space<vmem>>
    %dma_start3A_6 = arith.constant 0 : i32
    %dma_start3A_7 = tpu.memref_slice %arg5[%dma_start3A, %dma_start3A_6] : memref<250x128xi32, #tpu.memory_space<vmem>> -> memref<1x128xi32, #tpu.memory_space<vmem>>
    %dma_start3A_8 = tpu.memref_squeeze %dma_start3A_7 : memref<1x128xi32, #tpu.memory_space<vmem>> -> memref<128xi32, #tpu.memory_space<vmem>>
    %dma_start3A_9 = arith.constant 0 : i32
    %dma_start3A_10 = arith.constant 0 : i32
    %dma_start3A_11 = tpu.memref_slice %arg3[%dma_start3A_9, %dma_start3A_10] : memref<100000x64xf32, #tpu.memory_space<hbm>> -> memref<100000x64xf32, #tpu.memory_space<hbm>>
    tpu.enqueue_indirect_dma source(%dma_start3A_11 : memref<100000x64xf32, #tpu.memory_space<hbm>>) target(%dma_start3A_5 : memref<128x64xf32, #tpu.memory_space<vmem>>) offsets(%dma_start3A_8 : memref<128xi32, #tpu.memory_space<vmem>>) semaphore(%arg8 : memref<!tpu.dma_semaphore, #tpu.memory_space<semaphore_mem>>)
    %dma_start3A_12 = arith.constant 1 : i32
    %dma_start3A_13 = arith.constant 128 : i32
    %dma_start3A_14 = arith.constant 0 : i32
    %dma_start3A_15 = tpu.memref_slice %arg6[%dma_start3A_13, %dma_start3A_14] : memref<640x64xf32, #tpu.memory_space<vmem>> -> memref<128x64xf32, #tpu.memory_space<vmem>>
    %dma_start3A_16 = arith.constant 0 : i32
    %dma_start3A_17 = tpu.memref_slice %arg5[%dma_start3A_12, %dma_start3A_16] : memref<250x128xi32, #tpu.memory_space<vmem>> -> memref<1x128xi32, #tpu.memory_space<vmem>>
    %dma_start3A_18 = tpu.memref_squeeze %dma_start3A_17 : memref<1x128xi32, #tpu.memory_space<vmem>> -> memref<128xi32, #tpu.memory_space<vmem>>
    %dma_start3A_19 = arith.constant 0 : i32
    %dma_start3A_20 = arith.constant 0 : i32
    %dma_start3A_21 = tpu.memref_slice %arg3[%dma_start3A_19, %dma_start3A_20] : memref<100000x64xf32, #tpu.memory_space<hbm>> -> memref<100000x64xf32, #tpu.memory_space<hbm>>
    tpu.enqueue_indirect_dma source(%dma_start3A_21 : memref<100000x64xf32, #tpu.memory_space<hbm>>) target(%dma_start3A_15 : memref<128x64xf32, #tpu.memory_space<vmem>>) offsets(%dma_start3A_18 : memref<128xi32, #tpu.memory_space<vmem>>) semaphore(%arg8 : memref<!tpu.dma_semaphore, #tpu.memory_space<semaphore_mem>>)
    %dma_start3A_22 = arith.constant 2 : i32
    %dma_start3A_23 = arith.constant 256 : i32
    %dma_start3A_24 = arith.constant 0 : i32
    %dma_start3A_25 = tpu.memref_slice %arg6[%dma_start3A_23, %dma_start3A_24] : memref<640x64xf32, #tpu.memory_space<vmem>> -> memref<128x64xf32, #tpu.memory_space<vmem>>
    %dma_start3A_26 = arith.constant 0 : i32
    %dma_start3A_27 = tpu.memref_slice %arg5[%dma_start3A_22, %dma_start3A_26] : memref<250x128xi32, #tpu.memory_space<vmem>> -> memref<1x128xi32, #tpu.memory_space<vmem>>
    %dma_start3A_28 = tpu.memref_squeeze %dma_start3A_27 : memref<1x128xi32, #tpu.memory_space<vmem>> -> memref<128xi32, #tpu.memory_space<vmem>>
    %dma_start3A_29 = arith.constant 0 : i32
    %dma_start3A_30 = arith.constant 0 : i32
    %dma_start3A_31 = tpu.memref_slice %arg3[%dma_start3A_29, %dma_start3A_30] : memref<100000x64xf32, #tpu.memory_space<hbm>> -> memref<100000x64xf32, #tpu.memory_space<hbm>>
    tpu.enqueue_indirect_dma source(%dma_start3A_31 : memref<100000x64xf32, #tpu.memory_space<hbm>>) target(%dma_start3A_25 : memref<128x64xf32, #tpu.memory_space<vmem>>) offsets(%dma_start3A_28 : memref<128xi32, #tpu.memory_space<vmem>>) semaphore(%arg8 : memref<!tpu.dma_semaphore, #tpu.memory_space<semaphore_mem>>)
    %dma_start3A_32 = arith.constant 3 : i32
    %dma_start3A_33 = arith.constant 384 : i32
    %dma_start3A_34 = arith.constant 0 : i32
    %dma_start3A_35 = tpu.memref_slice %arg6[%dma_start3A_33, %dma_start3A_34] : memref<640x64xf32, #tpu.memory_space<vmem>> -> memref<128x64xf32, #tpu.memory_space<vmem>>
    %dma_start3A_36 = arith.constant 0 : i32
    %dma_start3A_37 = tpu.memref_slice %arg5[%dma_start3A_32, %dma_start3A_36] : memref<250x128xi32, #tpu.memory_space<vmem>> -> memref<1x128xi32, #tpu.memory_space<vmem>>
    %dma_start3A_38 = tpu.memref_squeeze %dma_start3A_37 : memref<1x128xi32, #tpu.memory_space<vmem>> -> memref<128xi32, #tpu.memory_space<vmem>>
    %dma_start3A_39 = arith.constant 0 : i32
    %dma_start3A_40 = arith.constant 0 : i32
    %dma_start3A_41 = tpu.memref_slice %arg3[%dma_start3A_39, %dma_start3A_40] : memref<100000x64xf32, #tpu.memory_space<hbm>> -> memref<100000x64xf32, #tpu.memory_space<hbm>>
    tpu.enqueue_indirect_dma source(%dma_start3A_41 : memref<100000x64xf32, #tpu.memory_space<hbm>>) target(%dma_start3A_35 : memref<128x64xf32, #tpu.memory_space<vmem>>) offsets(%dma_start3A_38 : memref<128xi32, #tpu.memory_space<vmem>>) semaphore(%arg8 : memref<!tpu.dma_semaphore, #tpu.memory_space<semaphore_mem>>)
    %dma_start3A_42 = arith.constant 4 : i32
    %dma_start3A_43 = arith.constant 512 : i32
    %dma_start3A_44 = arith.constant 0 : i32
    %dma_start3A_45 = tpu.memref_slice %arg6[%dma_start3A_43, %dma_start3A_44] : memref<640x64xf32, #tpu.memory_space<vmem>> -> memref<128x64xf32, #tpu.memory_space<vmem>>
    %dma_start3A_46 = arith.constant 0 : i32
    %dma_start3A_47 = tpu.memref_slice %arg5[%dma_start3A_42, %dma_start3A_46] : memref<250x128xi32, #tpu.memory_space<vmem>> -> memref<1x128xi32, #tpu.memory_space<vmem>>
    %dma_start3A_48 = tpu.memref_squeeze %dma_start3A_47 : memref<1x128xi32, #tpu.memory_space<vmem>> -> memref<128xi32, #tpu.memory_space<vmem>>
    %dma_start3A_49 = arith.constant 0 : i32
    %dma_start3A_50 = arith.constant 0 : i32
    %dma_start3A_51 = tpu.memref_slice %arg3[%dma_start3A_49, %dma_start3A_50] : memref<100000x64xf32, #tpu.memory_space<hbm>> -> memref<100000x64xf32, #tpu.memory_space<hbm>>
    tpu.enqueue_indirect_dma source(%dma_start3A_51 : memref<100000x64xf32, #tpu.memory_space<hbm>>) target(%dma_start3A_45 : memref<128x64xf32, #tpu.memory_space<vmem>>) offsets(%dma_start3A_48 : memref<128xi32, #tpu.memory_space<vmem>>) semaphore(%arg8 : memref<!tpu.dma_semaphore, #tpu.memory_space<semaphore_mem>>)
    %dma_wait3A = arith.constant 0 : i32
    %dma_wait3A_52 = arith.constant 0 : i32
    %dma_wait3A_53 = arith.constant 0 : i32
    %dma_wait3A_54 = tpu.memref_slice %arg6[%dma_wait3A_52, %dma_wait3A_53] : memref<640x64xf32, #tpu.memory_space<vmem>> -> memref<128x64xf32, #tpu.memory_space<vmem>>
    %dma_wait3A_55 = arith.constant 0 : i32
    %dma_wait3A_56 = tpu.memref_slice %arg5[%dma_wait3A, %dma_wait3A_55] : memref<250x128xi32, #tpu.memory_space<vmem>> -> memref<1x128xi32, #tpu.memory_space<vmem>>
    %dma_wait3A_57 = tpu.memref_squeeze %dma_wait3A_56 : memref<1x128xi32, #tpu.memory_space<vmem>> -> memref<128xi32, #tpu.memory_space<vmem>>
    %dma_wait3A_58 = arith.constant 0 : i32
    %dma_wait3A_59 = arith.constant 0 : i32
    %dma_wait3A_60 = tpu.memref_slice %arg3[%dma_wait3A_58, %dma_wait3A_59] : memref<100000x64xf32, #tpu.memory_space<hbm>> -> memref<100000x64xf32, #tpu.memory_space<hbm>>
    tpu.wait_indirect_dma semaphore(%arg8 : memref<!tpu.dma_semaphore, #tpu.memory_space<semaphore_mem>>) src(%dma_wait3A_60 : memref<100000x64xf32, #tpu.memory_space<hbm>>) dst(%dma_wait3A_54 : memref<128x64xf32, #tpu.memory_space<vmem>>)
    %dma_wait3A_61 = arith.constant 1 : i32
    %dma_wait3A_62 = arith.constant 128 : i32
    %dma_wait3A_63 = arith.constant 0 : i32
    %dma_wait3A_64 = tpu.memref_slice %arg6[%dma_wait3A_62, %dma_wait3A_63] : memref<640x64xf32, #tpu.memory_space<vmem>> -> memref<128x64xf32, #tpu.memory_space<vmem>>
    %dma_wait3A_65 = arith.constant 0 : i32
    %dma_wait3A_66 = tpu.memref_slice %arg5[%dma_wait3A_61, %dma_wait3A_65] : memref<250x128xi32, #tpu.memory_space<vmem>> -> memref<1x128xi32, #tpu.memory_space<vmem>>
    %dma_wait3A_67 = tpu.memref_squeeze %dma_wait3A_66 : memref<1x128xi32, #tpu.memory_space<vmem>> -> memref<128xi32, #tpu.memory_space<vmem>>
    %dma_wait3A_68 = arith.constant 0 : i32
    %dma_wait3A_69 = arith.constant 0 : i32
    %dma_wait3A_70 = tpu.memref_slice %arg3[%dma_wait3A_68, %dma_wait3A_69] : memref<100000x64xf32, #tpu.memory_space<hbm>> -> memref<100000x64xf32, #tpu.memory_space<hbm>>
    tpu.wait_indirect_dma semaphore(%arg8 : memref<!tpu.dma_semaphore, #tpu.memory_space<semaphore_mem>>) src(%dma_wait3A_70 : memref<100000x64xf32, #tpu.memory_space<hbm>>) dst(%dma_wait3A_64 : memref<128x64xf32, #tpu.memory_space<vmem>>)
    %dma_wait3A_71 = arith.constant 2 : i32
    %dma_wait3A_72 = arith.constant 256 : i32
    %dma_wait3A_73 = arith.constant 0 : i32
    %dma_wait3A_74 = tpu.memref_slice %arg6[%dma_wait3A_72, %dma_wait3A_73] : memref<640x64xf32, #tpu.memory_space<vmem>> -> memref<128x64xf32, #tpu.memory_space<vmem>>
    %dma_wait3A_75 = arith.constant 0 : i32
    %dma_wait3A_76 = tpu.memref_slice %arg5[%dma_wait3A_71, %dma_wait3A_75] : memref<250x128xi32, #tpu.memory_space<vmem>> -> memref<1x128xi32, #tpu.memory_space<vmem>>
    %dma_wait3A_77 = tpu.memref_squeeze %dma_wait3A_76 : memref<1x128xi32, #tpu.memory_space<vmem>> -> memref<128xi32, #tpu.memory_space<vmem>>
    %dma_wait3A_78 = arith.constant 0 : i32
    %dma_wait3A_79 = arith.constant 0 : i32
    %dma_wait3A_80 = tpu.memref_slice %arg3[%dma_wait3A_78, %dma_wait3A_79] : memref<100000x64xf32, #tpu.memory_space<hbm>> -> memref<100000x64xf32, #tpu.memory_space<hbm>>
    tpu.wait_indirect_dma semaphore(%arg8 : memref<!tpu.dma_semaphore, #tpu.memory_space<semaphore_mem>>) src(%dma_wait3A_80 : memref<100000x64xf32, #tpu.memory_space<hbm>>) dst(%dma_wait3A_74 : memref<128x64xf32, #tpu.memory_space<vmem>>)
    %dma_wait3A_81 = arith.constant 3 : i32
    %dma_wait3A_82 = arith.constant 384 : i32
    %dma_wait3A_83 = arith.constant 0 : i32
    %dma_wait3A_84 = tpu.memref_slice %arg6[%dma_wait3A_82, %dma_wait3A_83] : memref<640x64xf32, #tpu.memory_space<vmem>> -> memref<128x64xf32, #tpu.memory_space<vmem>>
    %dma_wait3A_85 = arith.constant 0 : i32
    %dma_wait3A_86 = tpu.memref_slice %arg5[%dma_wait3A_81, %dma_wait3A_85] : memref<250x128xi32, #tpu.memory_space<vmem>> -> memref<1x128xi32, #tpu.memory_space<vmem>>
    %dma_wait3A_87 = tpu.memref_squeeze %dma_wait3A_86 : memref<1x128xi32, #tpu.memory_space<vmem>> -> memref<128xi32, #tpu.memory_space<vmem>>
    %dma_wait3A_88 = arith.constant 0 : i32
    %dma_wait3A_89 = arith.constant 0 : i32
    %dma_wait3A_90 = tpu.memref_slice %arg3[%dma_wait3A_88, %dma_wait3A_89] : memref<100000x64xf32, #tpu.memory_space<hbm>> -> memref<100000x64xf32, #tpu.memory_space<hbm>>
    tpu.wait_indirect_dma semaphore(%arg8 : memref<!tpu.dma_semaphore, #tpu.memory_space<semaphore_mem>>) src(%dma_wait3A_90 : memref<100000x64xf32, #tpu.memory_space<hbm>>) dst(%dma_wait3A_84 : memref<128x64xf32, #tpu.memory_space<vmem>>)
    %dma_wait3A_91 = arith.constant 4 : i32
    %dma_wait3A_92 = arith.constant 512 : i32
    %dma_wait3A_93 = arith.constant 0 : i32
    %dma_wait3A_94 = tpu.memref_slice %arg6[%dma_wait3A_92, %dma_wait3A_93] : memref<640x64xf32, #tpu.memory_space<vmem>> -> memref<128x64xf32, #tpu.memory_space<vmem>>
    %dma_wait3A_95 = arith.constant 0 : i32
    %dma_wait3A_96 = tpu.memref_slice %arg5[%dma_wait3A_91, %dma_wait3A_95] : memref<250x128xi32, #tpu.memory_space<vmem>> -> memref<1x128xi32, #tpu.memory_space<vmem>>
    %dma_wait3A_97 = tpu.memref_squeeze %dma_wait3A_96 : memref<1x128xi32, #tpu.memory_space<vmem>> -> memref<128xi32, #tpu.memory_space<vmem>>
    %dma_wait3A_98 = arith.constant 0 : i32
    %dma_wait3A_99 = arith.constant 0 : i32
    %dma_wait3A_100 = tpu.memref_slice %arg3[%dma_wait3A_98, %dma_wait3A_99] : memref<100000x64xf32, #tpu.memory_space<hbm>> -> memref<100000x64xf32, #tpu.memory_space<hbm>>
    tpu.wait_indirect_dma semaphore(%arg8 : memref<!tpu.dma_semaphore, #tpu.memory_space<semaphore_mem>>) src(%dma_wait3A_100 : memref<100000x64xf32, #tpu.memory_space<hbm>>) dst(%dma_wait3A_94 : memref<128x64xf32, #tpu.memory_space<vmem>>)
    %dma_start3A_101 = arith.constant 5 : i32
    %dma_start3A_102 = arith.constant 0 : i32
    %dma_start3A_103 = arith.constant 0 : i32
    %dma_start3A_104 = tpu.memref_slice %arg7[%dma_start3A_102, %dma_start3A_103] : memref<640x64xf32, #tpu.memory_space<vmem>> -> memref<128x64xf32, #tpu.memory_space<vmem>>
    %dma_start3A_105 = arith.constant 0 : i32
    %dma_start3A_106 = tpu.memref_slice %arg5[%dma_start3A_101, %dma_start3A_105] : memref<250x128xi32, #tpu.memory_space<vmem>> -> memref<1x128xi32, #tpu.memory_space<vmem>>
    %dma_start3A_107 = tpu.memref_squeeze %dma_start3A_106 : memref<1x128xi32, #tpu.memory_space<vmem>> -> memref<128xi32, #tpu.memory_space<vmem>>
    %dma_start3A_108 = arith.constant 0 : i32
    %dma_start3A_109 = arith.constant 0 : i32
    %dma_start3A_110 = tpu.memref_slice %arg3[%dma_start3A_108, %dma_start3A_109] : memref<100000x64xf32, #tpu.memory_space<hbm>> -> memref<100000x64xf32, #tpu.memory_space<hbm>>
    tpu.enqueue_indirect_dma source(%dma_start3A_110 : memref<100000x64xf32, #tpu.memory_space<hbm>>) target(%dma_start3A_104 : memref<128x64xf32, #tpu.memory_space<vmem>>) offsets(%dma_start3A_107 : memref<128xi32, #tpu.memory_space<vmem>>) semaphore(%arg9 : memref<!tpu.dma_semaphore, #tpu.memory_space<semaphore_mem>>)
    %dma_start3A_111 = arith.constant 6 : i32
    %dma_start3A_112 = arith.constant 128 : i32
    %dma_start3A_113 = arith.constant 0 : i32
    %dma_start3A_114 = tpu.memref_slice %arg7[%dma_start3A_112, %dma_start3A_113] : memref<640x64xf32, #tpu.memory_space<vmem>> -> memref<128x64xf32, #tpu.memory_space<vmem>>
    %dma_start3A_115 = arith.constant 0 : i32
    %dma_start3A_116 = tpu.memref_slice %arg5[%dma_start3A_111, %dma_start3A_115] : memref<250x128xi32, #tpu.memory_space<vmem>> -> memref<1x128xi32, #tpu.memory_space<vmem>>
    %dma_start3A_117 = tpu.memref_squeeze %dma_start3A_116 : memref<1x128xi32, #tpu.memory_space<vmem>> -> memref<128xi32, #tpu.memory_space<vmem>>
    %dma_start3A_118 = arith.constant 0 : i32
    %dma_start3A_119 = arith.constant 0 : i32
    %dma_start3A_120 = tpu.memref_slice %arg3[%dma_start3A_118, %dma_start3A_119] : memref<100000x64xf32, #tpu.memory_space<hbm>> -> memref<100000x64xf32, #tpu.memory_space<hbm>>
    tpu.enqueue_indirect_dma source(%dma_start3A_120 : memref<100000x64xf32, #tpu.memory_space<hbm>>) target(%dma_start3A_114 : memref<128x64xf32, #tpu.memory_space<vmem>>) offsets(%dma_start3A_117 : memref<128xi32, #tpu.memory_space<vmem>>) semaphore(%arg9 : memref<!tpu.dma_semaphore, #tpu.memory_space<semaphore_mem>>)
    %dma_start3A_121 = arith.constant 7 : i32
    %dma_start3A_122 = arith.constant 256 : i32
    %dma_start3A_123 = arith.constant 0 : i32
    %dma_start3A_124 = tpu.memref_slice %arg7[%dma_start3A_122, %dma_start3A_123] : memref<640x64xf32, #tpu.memory_space<vmem>> -> memref<128x64xf32, #tpu.memory_space<vmem>>
    %dma_start3A_125 = arith.constant 0 : i32
    %dma_start3A_126 = tpu.memref_slice %arg5[%dma_start3A_121, %dma_start3A_125] : memref<250x128xi32, #tpu.memory_space<vmem>> -> memref<1x128xi32, #tpu.memory_space<vmem>>
    %dma_start3A_127 = tpu.memref_squeeze %dma_start3A_126 : memref<1x128xi32, #tpu.memory_space<vmem>> -> memref<128xi32, #tpu.memory_space<vmem>>
    %dma_start3A_128 = arith.constant 0 : i32
    %dma_start3A_129 = arith.constant 0 : i32
    %dma_start3A_130 = tpu.memref_slice %arg3[%dma_start3A_128, %dma_start3A_129] : memref<100000x64xf32, #tpu.memory_space<hbm>> -> memref<100000x64xf32, #tpu.memory_space<hbm>>
    tpu.enqueue_indirect_dma source(%dma_start3A_130 : memref<100000x64xf32, #tpu.memory_space<hbm>>) target(%dma_start3A_124 : memref<128x64xf32, #tpu.memory_space<vmem>>) offsets(%dma_start3A_127 : memref<128xi32, #tpu.memory_space<vmem>>) semaphore(%arg9 : memref<!tpu.dma_semaphore, #tpu.memory_space<semaphore_mem>>)
    %dma_start3A_131 = arith.constant 8 : i32
    %dma_start3A_132 = arith.constant 384 : i32
    %dma_start3A_133 = arith.constant 0 : i32
    %dma_start3A_134 = tpu.memref_slice %arg7[%dma_start3A_132, %dma_start3A_133] : memref<640x64xf32, #tpu.memory_space<vmem>> -> memref<128x64xf32, #tpu.memory_space<vmem>>
    %dma_start3A_135 = arith.constant 0 : i32
    %dma_start3A_136 = tpu.memref_slice %arg5[%dma_start3A_131, %dma_start3A_135] : memref<250x128xi32, #tpu.memory_space<vmem>> -> memref<1x128xi32, #tpu.memory_space<vmem>>
    %dma_start3A_137 = tpu.memref_squeeze %dma_start3A_136 : memref<1x128xi32, #tpu.memory_space<vmem>> -> memref<128xi32, #tpu.memory_space<vmem>>
    %dma_start3A_138 = arith.constant 0 : i32
    %dma_start3A_139 = arith.constant 0 : i32
    %dma_start3A_140 = tpu.memref_slice %arg3[%dma_start3A_138, %dma_start3A_139] : memref<100000x64xf32, #tpu.memory_space<hbm>> -> memref<100000x64xf32, #tpu.memory_space<hbm>>
    tpu.enqueue_indirect_dma source(%dma_start3A_140 : memref<100000x64xf32, #tpu.memory_space<hbm>>) target(%dma_start3A_134 : memref<128x64xf32, #tpu.memory_space<vmem>>) offsets(%dma_start3A_137 : memref<128xi32, #tpu.memory_space<vmem>>) semaphore(%arg9 : memref<!tpu.dma_semaphore, #tpu.memory_space<semaphore_mem>>)
    %dma_start3A_141 = arith.constant 9 : i32
    %dma_start3A_142 = arith.constant 512 : i32
    %dma_start3A_143 = arith.constant 0 : i32
    %dma_start3A_144 = tpu.memref_slice %arg7[%dma_start3A_142, %dma_start3A_143] : memref<640x64xf32, #tpu.memory_space<vmem>> -> memref<128x64xf32, #tpu.memory_space<vmem>>
    %dma_start3A_145 = arith.constant 0 : i32
    %dma_start3A_146 = tpu.memref_slice %arg5[%dma_start3A_141, %dma_start3A_145] : memref<250x128xi32, #tpu.memory_space<vmem>> -> memref<1x128xi32, #tpu.memory_space<vmem>>
    %dma_start3A_147 = tpu.memref_squeeze %dma_start3A_146 : memref<1x128xi32, #tpu.memory_space<vmem>> -> memref<128xi32, #tpu.memory_space<vmem>>
    %dma_start3A_148 = arith.constant 0 : i32
    %dma_start3A_149 = arith.constant 0 : i32
    %dma_start3A_150 = tpu.memref_slice %arg3[%dma_start3A_148, %dma_start3A_149] : memref<100000x64xf32, #tpu.memory_space<hbm>> -> memref<100000x64xf32, #tpu.memory_space<hbm>>
    tpu.enqueue_indirect_dma source(%dma_start3A_150 : memref<100000x64xf32, #tpu.memory_space<hbm>>) target(%dma_start3A_144 : memref<128x64xf32, #tpu.memory_space<vmem>>) offsets(%dma_start3A_147 : memref<128xi32, #tpu.memory_space<vmem>>) semaphore(%arg9 : memref<!tpu.dma_semaphore, #tpu.memory_space<semaphore_mem>>)
    %add3A_151 = arith.constant 0 : i32
    %add3A_152 = arith.addi %mul3A_2, %add3A_151 : i32
    %dma_start3A_153 = arith.constant 0 : i32
    %dma_start3A_154 = tpu.memref_slice %arg4[%add3A_152, %dma_start3A_153] : memref<1024000x64xf32, #tpu.memory_space<hbm>> -> memref<640x64xf32, #tpu.memory_space<hbm>>
    %dma_start3A_155 = arith.constant 0 : i32
    %dma_start3A_156 = tpu.memref_slice %arg4[%add3A_152, %dma_start3A_155] : memref<1024000x64xf32, #tpu.memory_space<hbm>> -> memref<640x64xf32, #tpu.memory_space<hbm>>
    tpu.enqueue_dma source(%arg6 : memref<640x64xf32, #tpu.memory_space<vmem>>) target(%dma_start3A_156 : memref<640x64xf32, #tpu.memory_space<hbm>>) target_semaphore(%arg10 : memref<!tpu.dma_semaphore, #tpu.memory_space<semaphore_mem>>)
    %scan3A = arith.constant 0 : i32
    %scan3A_157 = arith.constant 0 : i32
    %scan3A_158 = arith.constant 24 : i32
    %scan3A_159 = arith.addi %scan3A_157, %scan3A_158 : i32
    %scan3A_160 = arith.constant 1 : i32
    scf.for %scan3A_230 = %scan3A_157 to %scan3A_159 step %scan3A_160  : i32 {
      %mul3A_231 = arith.constant 2 : i32
      %mul3A_232 = arith.muli %mul3A_231, %scan3A_230 : i32
      %add3A_233 = arith.constant 1 : i32
      %add3A_234 = arith.addi %mul3A_232, %add3A_233 : i32
      %mul3A_235 = arith.constant 2 : i32
      %mul3A_236 = arith.muli %mul3A_235, %scan3A_230 : i32
      %add3A_237 = arith.constant 2 : i32
      %add3A_238 = arith.addi %mul3A_236, %add3A_237 : i32
      %mul3A_239 = arith.constant 5 : i32
      %mul3A_240 = arith.muli %add3A_234, %mul3A_239 : i32
      %add3A_241 = arith.constant 0 : i32
      %add3A_242 = arith.addi %mul3A_240, %add3A_241 : i32
      %dma_wait3A_243 = arith.constant 0 : i32
      %dma_wait3A_244 = arith.constant 0 : i32
      %dma_wait3A_245 = tpu.memref_slice %arg7[%dma_wait3A_243, %dma_wait3A_244] : memref<640x64xf32, #tpu.memory_space<vmem>> -> memref<128x64xf32, #tpu.memory_space<vmem>>
      %dma_wait3A_246 = arith.constant 0 : i32
      %dma_wait3A_247 = tpu.memref_slice %arg5[%add3A_242, %dma_wait3A_246] : memref<250x128xi32, #tpu.memory_space<vmem>> -> memref<1x128xi32, #tpu.memory_space<vmem>>
      %dma_wait3A_248 = tpu.memref_squeeze %dma_wait3A_247 : memref<1x128xi32, #tpu.memory_space<vmem>> -> memref<128xi32, #tpu.memory_space<vmem>>
      %dma_wait3A_249 = arith.constant 0 : i32
      %dma_wait3A_250 = arith.constant 0 : i32
      %dma_wait3A_251 = tpu.memref_slice %arg3[%dma_wait3A_249, %dma_wait3A_250] : memref<100000x64xf32, #tpu.memory_space<hbm>> -> memref<100000x64xf32, #tpu.memory_space<hbm>>
      tpu.wait_indirect_dma semaphore(%arg9 : memref<!tpu.dma_semaphore, #tpu.memory_space<semaphore_mem>>) src(%dma_wait3A_251 : memref<100000x64xf32, #tpu.memory_space<hbm>>) dst(%dma_wait3A_245 : memref<128x64xf32, #tpu.memory_space<vmem>>)
      %mul3A_252 = arith.constant 5 : i32
      %mul3A_253 = arith.muli %add3A_234, %mul3A_252 : i32
      %add3A_254 = arith.constant 1 : i32
      %add3A_255 = arith.addi %mul3A_253, %add3A_254 : i32
      %dma_wait3A_256 = arith.constant 128 : i32
      %dma_wait3A_257 = arith.constant 0 : i32
      %dma_wait3A_258 = tpu.memref_slice %arg7[%dma_wait3A_256, %dma_wait3A_257] : memref<640x64xf32, #tpu.memory_space<vmem>> -> memref<128x64xf32, #tpu.memory_space<vmem>>
      %dma_wait3A_259 = arith.constant 0 : i32
      %dma_wait3A_260 = tpu.memref_slice %arg5[%add3A_255, %dma_wait3A_259] : memref<250x128xi32, #tpu.memory_space<vmem>> -> memref<1x128xi32, #tpu.memory_space<vmem>>
      %dma_wait3A_261 = tpu.memref_squeeze %dma_wait3A_260 : memref<1x128xi32, #tpu.memory_space<vmem>> -> memref<128xi32, #tpu.memory_space<vmem>>
      %dma_wait3A_262 = arith.constant 0 : i32
      %dma_wait3A_263 = arith.constant 0 : i32
      %dma_wait3A_264 = tpu.memref_slice %arg3[%dma_wait3A_262, %dma_wait3A_263] : memref<100000x64xf32, #tpu.memory_space<hbm>> -> memref<100000x64xf32, #tpu.memory_space<hbm>>
      tpu.wait_indirect_dma semaphore(%arg9 : memref<!tpu.dma_semaphore, #tpu.memory_space<semaphore_mem>>) src(%dma_wait3A_264 : memref<100000x64xf32, #tpu.memory_space<hbm>>) dst(%dma_wait3A_258 : memref<128x64xf32, #tpu.memory_space<vmem>>)
      %mul3A_265 = arith.constant 5 : i32
      %mul3A_266 = arith.muli %add3A_234, %mul3A_265 : i32
      %add3A_267 = arith.constant 2 : i32
      %add3A_268 = arith.addi %mul3A_266, %add3A_267 : i32
      %dma_wait3A_269 = arith.constant 256 : i32
      %dma_wait3A_270 = arith.constant 0 : i32
      %dma_wait3A_271 = tpu.memref_slice %arg7[%dma_wait3A_269, %dma_wait3A_270] : memref<640x64xf32, #tpu.memory_space<vmem>> -> memref<128x64xf32, #tpu.memory_space<vmem>>
      %dma_wait3A_272 = arith.constant 0 : i32
      %dma_wait3A_273 = tpu.memref_slice %arg5[%add3A_268, %dma_wait3A_272] : memref<250x128xi32, #tpu.memory_space<vmem>> -> memref<1x128xi32, #tpu.memory_space<vmem>>
      %dma_wait3A_274 = tpu.memref_squeeze %dma_wait3A_273 : memref<1x128xi32, #tpu.memory_space<vmem>> -> memref<128xi32, #tpu.memory_space<vmem>>
      %dma_wait3A_275 = arith.constant 0 : i32
      %dma_wait3A_276 = arith.constant 0 : i32
      %dma_wait3A_277 = tpu.memref_slice %arg3[%dma_wait3A_275, %dma_wait3A_276] : memref<100000x64xf32, #tpu.memory_space<hbm>> -> memref<100000x64xf32, #tpu.memory_space<hbm>>
      tpu.wait_indirect_dma semaphore(%arg9 : memref<!tpu.dma_semaphore, #tpu.memory_space<semaphore_mem>>) src(%dma_wait3A_277 : memref<100000x64xf32, #tpu.memory_space<hbm>>) dst(%dma_wait3A_271 : memref<128x64xf32, #tpu.memory_space<vmem>>)
      %mul3A_278 = arith.constant 5 : i32
      %mul3A_279 = arith.muli %add3A_234, %mul3A_278 : i32
      %add3A_280 = arith.constant 3 : i32
      %add3A_281 = arith.addi %mul3A_279, %add3A_280 : i32
      %dma_wait3A_282 = arith.constant 384 : i32
      %dma_wait3A_283 = arith.constant 0 : i32
      %dma_wait3A_284 = tpu.memref_slice %arg7[%dma_wait3A_282, %dma_wait3A_283] : memref<640x64xf32, #tpu.memory_space<vmem>> -> memref<128x64xf32, #tpu.memory_space<vmem>>
      %dma_wait3A_285 = arith.constant 0 : i32
      %dma_wait3A_286 = tpu.memref_slice %arg5[%add3A_281, %dma_wait3A_285] : memref<250x128xi32, #tpu.memory_space<vmem>> -> memref<1x128xi32, #tpu.memory_space<vmem>>
      %dma_wait3A_287 = tpu.memref_squeeze %dma_wait3A_286 : memref<1x128xi32, #tpu.memory_space<vmem>> -> memref<128xi32, #tpu.memory_space<vmem>>
      %dma_wait3A_288 = arith.constant 0 : i32
      %dma_wait3A_289 = arith.constant 0 : i32
      %dma_wait3A_290 = tpu.memref_slice %arg3[%dma_wait3A_288, %dma_wait3A_289] : memref<100000x64xf32, #tpu.memory_space<hbm>> -> memref<100000x64xf32, #tpu.memory_space<hbm>>
      tpu.wait_indirect_dma semaphore(%arg9 : memref<!tpu.dma_semaphore, #tpu.memory_space<semaphore_mem>>) src(%dma_wait3A_290 : memref<100000x64xf32, #tpu.memory_space<hbm>>) dst(%dma_wait3A_284 : memref<128x64xf32, #tpu.memory_space<vmem>>)
      %mul3A_291 = arith.constant 5 : i32
      %mul3A_292 = arith.muli %add3A_234, %mul3A_291 : i32
      %add3A_293 = arith.constant 4 : i32
      %add3A_294 = arith.addi %mul3A_292, %add3A_293 : i32
      %dma_wait3A_295 = arith.constant 512 : i32
      %dma_wait3A_296 = arith.constant 0 : i32
      %dma_wait3A_297 = tpu.memref_slice %arg7[%dma_wait3A_295, %dma_wait3A_296] : memref<640x64xf32, #tpu.memory_space<vmem>> -> memref<128x64xf32, #tpu.memory_space<vmem>>
      %dma_wait3A_298 = arith.constant 0 : i32
      %dma_wait3A_299 = tpu.memref_slice %arg5[%add3A_294, %dma_wait3A_298] : memref<250x128xi32, #tpu.memory_space<vmem>> -> memref<1x128xi32, #tpu.memory_space<vmem>>
      %dma_wait3A_300 = tpu.memref_squeeze %dma_wait3A_299 : memref<1x128xi32, #tpu.memory_space<vmem>> -> memref<128xi32, #tpu.memory_space<vmem>>
      %dma_wait3A_301 = arith.constant 0 : i32
      %dma_wait3A_302 = arith.constant 0 : i32
      %dma_wait3A_303 = tpu.memref_slice %arg3[%dma_wait3A_301, %dma_wait3A_302] : memref<100000x64xf32, #tpu.memory_space<hbm>> -> memref<100000x64xf32, #tpu.memory_space<hbm>>
      tpu.wait_indirect_dma semaphore(%arg9 : memref<!tpu.dma_semaphore, #tpu.memory_space<semaphore_mem>>) src(%dma_wait3A_303 : memref<100000x64xf32, #tpu.memory_space<hbm>>) dst(%dma_wait3A_297 : memref<128x64xf32, #tpu.memory_space<vmem>>)
      %sub3A = arith.constant 1 : i32
      %sub3A_304 = arith.subi %add3A_234, %sub3A : i32
      %mul3A_305 = arith.constant 640 : i32
      %mul3A_306 = arith.muli %sub3A_304, %mul3A_305 : i32
      %add3A_307 = arith.addi %mul3A_2, %mul3A_306 : i32
      %dma_wait3A_308 = arith.constant 0 : i32
      %dma_wait3A_309 = tpu.memref_slice %arg4[%add3A_307, %dma_wait3A_308] : memref<1024000x64xf32, #tpu.memory_space<hbm>> -> memref<640x64xf32, #tpu.memory_space<hbm>>
      %dma_wait3A_310 = arith.constant 0 : i32
      %dma_wait3A_311 = tpu.memref_slice %arg4[%add3A_307, %dma_wait3A_310] : memref<1024000x64xf32, #tpu.memory_space<hbm>> -> memref<640x64xf32, #tpu.memory_space<hbm>>
      tpu.wait_dma2 semaphore(%arg10 : memref<!tpu.dma_semaphore, #tpu.memory_space<semaphore_mem>>) src(%arg6 : memref<640x64xf32, #tpu.memory_space<vmem>>) dst(%dma_wait3A_311 : memref<640x64xf32, #tpu.memory_space<hbm>>)
      %mul3A_312 = arith.constant 5 : i32
      %mul3A_313 = arith.muli %add3A_238, %mul3A_312 : i32
      %add3A_314 = arith.constant 0 : i32
      %add3A_315 = arith.addi %mul3A_313, %add3A_314 : i32
      %dma_start3A_316 = arith.constant 0 : i32
      %dma_start3A_317 = arith.constant 0 : i32
      %dma_start3A_318 = tpu.memref_slice %arg6[%dma_start3A_316, %dma_start3A_317] : memref<640x64xf32, #tpu.memory_space<vmem>> -> memref<128x64xf32, #tpu.memory_space<vmem>>
      %dma_start3A_319 = arith.constant 0 : i32
      %dma_start3A_320 = tpu.memref_slice %arg5[%add3A_315, %dma_start3A_319] : memref<250x128xi32, #tpu.memory_space<vmem>> -> memref<1x128xi32, #tpu.memory_space<vmem>>
      %dma_start3A_321 = tpu.memref_squeeze %dma_start3A_320 : memref<1x128xi32, #tpu.memory_space<vmem>> -> memref<128xi32, #tpu.memory_space<vmem>>
      %dma_start3A_322 = arith.constant 0 : i32
      %dma_start3A_323 = arith.constant 0 : i32
      %dma_start3A_324 = tpu.memref_slice %arg3[%dma_start3A_322, %dma_start3A_323] : memref<100000x64xf32, #tpu.memory_space<hbm>> -> memref<100000x64xf32, #tpu.memory_space<hbm>>
      tpu.enqueue_indirect_dma source(%dma_start3A_324 : memref<100000x64xf32, #tpu.memory_space<hbm>>) target(%dma_start3A_318 : memref<128x64xf32, #tpu.memory_space<vmem>>) offsets(%dma_start3A_321 : memref<128xi32, #tpu.memory_space<vmem>>) semaphore(%arg8 : memref<!tpu.dma_semaphore, #tpu.memory_space<semaphore_mem>>)
      %mul3A_325 = arith.constant 5 : i32
      %mul3A_326 = arith.muli %add3A_238, %mul3A_325 : i32
      %add3A_327 = arith.constant 1 : i32
      %add3A_328 = arith.addi %mul3A_326, %add3A_327 : i32
      %dma_start3A_329 = arith.constant 128 : i32
      %dma_start3A_330 = arith.constant 0 : i32
      %dma_start3A_331 = tpu.memref_slice %arg6[%dma_start3A_329, %dma_start3A_330] : memref<640x64xf32, #tpu.memory_space<vmem>> -> memref<128x64xf32, #tpu.memory_space<vmem>>
      %dma_start3A_332 = arith.constant 0 : i32
      %dma_start3A_333 = tpu.memref_slice %arg5[%add3A_328, %dma_start3A_332] : memref<250x128xi32, #tpu.memory_space<vmem>> -> memref<1x128xi32, #tpu.memory_space<vmem>>
      %dma_start3A_334 = tpu.memref_squeeze %dma_start3A_333 : memref<1x128xi32, #tpu.memory_space<vmem>> -> memref<128xi32, #tpu.memory_space<vmem>>
      %dma_start3A_335 = arith.constant 0 : i32
      %dma_start3A_336 = arith.constant 0 : i32
      %dma_start3A_337 = tpu.memref_slice %arg3[%dma_start3A_335, %dma_start3A_336] : memref<100000x64xf32, #tpu.memory_space<hbm>> -> memref<100000x64xf32, #tpu.memory_space<hbm>>
      tpu.enqueue_indirect_dma source(%dma_start3A_337 : memref<100000x64xf32, #tpu.memory_space<hbm>>) target(%dma_start3A_331 : memref<128x64xf32, #tpu.memory_space<vmem>>) offsets(%dma_start3A_334 : memref<128xi32, #tpu.memory_space<vmem>>) semaphore(%arg8 : memref<!tpu.dma_semaphore, #tpu.memory_space<semaphore_mem>>)
      %mul3A_338 = arith.constant 5 : i32
      %mul3A_339 = arith.muli %add3A_238, %mul3A_338 : i32
      %add3A_340 = arith.constant 2 : i32
      %add3A_341 = arith.addi %mul3A_339, %add3A_340 : i32
      %dma_start3A_342 = arith.constant 256 : i32
      %dma_start3A_343 = arith.constant 0 : i32
      %dma_start3A_344 = tpu.memref_slice %arg6[%dma_start3A_342, %dma_start3A_343] : memref<640x64xf32, #tpu.memory_space<vmem>> -> memref<128x64xf32, #tpu.memory_space<vmem>>
      %dma_start3A_345 = arith.constant 0 : i32
      %dma_start3A_346 = tpu.memref_slice %arg5[%add3A_341, %dma_start3A_345] : memref<250x128xi32, #tpu.memory_space<vmem>> -> memref<1x128xi32, #tpu.memory_space<vmem>>
      %dma_start3A_347 = tpu.memref_squeeze %dma_start3A_346 : memref<1x128xi32, #tpu.memory_space<vmem>> -> memref<128xi32, #tpu.memory_space<vmem>>
      %dma_start3A_348 = arith.constant 0 : i32
      %dma_start3A_349 = arith.constant 0 : i32
      %dma_start3A_350 = tpu.memref_slice %arg3[%dma_start3A_348, %dma_start3A_349] : memref<100000x64xf32, #tpu.memory_space<hbm>> -> memref<100000x64xf32, #tpu.memory_space<hbm>>
      tpu.enqueue_indirect_dma source(%dma_start3A_350 : memref<100000x64xf32, #tpu.memory_space<hbm>>) target(%dma_start3A_344 : memref<128x64xf32, #tpu.memory_space<vmem>>) offsets(%dma_start3A_347 : memref<128xi32, #tpu.memory_space<vmem>>) semaphore(%arg8 : memref<!tpu.dma_semaphore, #tpu.memory_space<semaphore_mem>>)
      %mul3A_351 = arith.constant 5 : i32
      %mul3A_352 = arith.muli %add3A_238, %mul3A_351 : i32
      %add3A_353 = arith.constant 3 : i32
      %add3A_354 = arith.addi %mul3A_352, %add3A_353 : i32
      %dma_start3A_355 = arith.constant 384 : i32
      %dma_start3A_356 = arith.constant 0 : i32
      %dma_start3A_357 = tpu.memref_slice %arg6[%dma_start3A_355, %dma_start3A_356] : memref<640x64xf32, #tpu.memory_space<vmem>> -> memref<128x64xf32, #tpu.memory_space<vmem>>
      %dma_start3A_358 = arith.constant 0 : i32
      %dma_start3A_359 = tpu.memref_slice %arg5[%add3A_354, %dma_start3A_358] : memref<250x128xi32, #tpu.memory_space<vmem>> -> memref<1x128xi32, #tpu.memory_space<vmem>>
      %dma_start3A_360 = tpu.memref_squeeze %dma_start3A_359 : memref<1x128xi32, #tpu.memory_space<vmem>> -> memref<128xi32, #tpu.memory_space<vmem>>
      %dma_start3A_361 = arith.constant 0 : i32
      %dma_start3A_362 = arith.constant 0 : i32
      %dma_start3A_363 = tpu.memref_slice %arg3[%dma_start3A_361, %dma_start3A_362] : memref<100000x64xf32, #tpu.memory_space<hbm>> -> memref<100000x64xf32, #tpu.memory_space<hbm>>
      tpu.enqueue_indirect_dma source(%dma_start3A_363 : memref<100000x64xf32, #tpu.memory_space<hbm>>) target(%dma_start3A_357 : memref<128x64xf32, #tpu.memory_space<vmem>>) offsets(%dma_start3A_360 : memref<128xi32, #tpu.memory_space<vmem>>) semaphore(%arg8 : memref<!tpu.dma_semaphore, #tpu.memory_space<semaphore_mem>>)
      %mul3A_364 = arith.constant 5 : i32
      %mul3A_365 = arith.muli %add3A_238, %mul3A_364 : i32
      %add3A_366 = arith.constant 4 : i32
      %add3A_367 = arith.addi %mul3A_365, %add3A_366 : i32
      %dma_start3A_368 = arith.constant 512 : i32
      %dma_start3A_369 = arith.constant 0 : i32
      %dma_start3A_370 = tpu.memref_slice %arg6[%dma_start3A_368, %dma_start3A_369] : memref<640x64xf32, #tpu.memory_space<vmem>> -> memref<128x64xf32, #tpu.memory_space<vmem>>
      %dma_start3A_371 = arith.constant 0 : i32
      %dma_start3A_372 = tpu.memref_slice %arg5[%add3A_367, %dma_start3A_371] : memref<250x128xi32, #tpu.memory_space<vmem>> -> memref<1x128xi32, #tpu.memory_space<vmem>>
      %dma_start3A_373 = tpu.memref_squeeze %dma_start3A_372 : memref<1x128xi32, #tpu.memory_space<vmem>> -> memref<128xi32, #tpu.memory_space<vmem>>
      %dma_start3A_374 = arith.constant 0 : i32
      %dma_start3A_375 = arith.constant 0 : i32
      %dma_start3A_376 = tpu.memref_slice %arg3[%dma_start3A_374, %dma_start3A_375] : memref<100000x64xf32, #tpu.memory_space<hbm>> -> memref<100000x64xf32, #tpu.memory_space<hbm>>
      tpu.enqueue_indirect_dma source(%dma_start3A_376 : memref<100000x64xf32, #tpu.memory_space<hbm>>) target(%dma_start3A_370 : memref<128x64xf32, #tpu.memory_space<vmem>>) offsets(%dma_start3A_373 : memref<128xi32, #tpu.memory_space<vmem>>) semaphore(%arg8 : memref<!tpu.dma_semaphore, #tpu.memory_space<semaphore_mem>>)
      %mul3A_377 = arith.constant 640 : i32
      %mul3A_378 = arith.muli %add3A_234, %mul3A_377 : i32
      %add3A_379 = arith.addi %mul3A_2, %mul3A_378 : i32
      %dma_start3A_380 = arith.constant 0 : i32
      %dma_start3A_381 = tpu.memref_slice %arg4[%add3A_379, %dma_start3A_380] : memref<1024000x64xf32, #tpu.memory_space<hbm>> -> memref<640x64xf32, #tpu.memory_space<hbm>>
      %dma_start3A_382 = arith.constant 0 : i32
      %dma_start3A_383 = tpu.memref_slice %arg4[%add3A_379, %dma_start3A_382] : memref<1024000x64xf32, #tpu.memory_space<hbm>> -> memref<640x64xf32, #tpu.memory_space<hbm>>
      tpu.enqueue_dma source(%arg7 : memref<640x64xf32, #tpu.memory_space<vmem>>) target(%dma_start3A_383 : memref<640x64xf32, #tpu.memory_space<hbm>>) target_semaphore(%arg11 : memref<!tpu.dma_semaphore, #tpu.memory_space<semaphore_mem>>)
      %mul3A_384 = arith.constant 5 : i32
      %mul3A_385 = arith.muli %add3A_238, %mul3A_384 : i32
      %add3A_386 = arith.constant 0 : i32
      %add3A_387 = arith.addi %mul3A_385, %add3A_386 : i32
      %dma_wait3A_388 = arith.constant 0 : i32
      %dma_wait3A_389 = arith.constant 0 : i32
      %dma_wait3A_390 = tpu.memref_slice %arg6[%dma_wait3A_388, %dma_wait3A_389] : memref<640x64xf32, #tpu.memory_space<vmem>> -> memref<128x64xf32, #tpu.memory_space<vmem>>
      %dma_wait3A_391 = arith.constant 0 : i32
      %dma_wait3A_392 = tpu.memref_slice %arg5[%add3A_387, %dma_wait3A_391] : memref<250x128xi32, #tpu.memory_space<vmem>> -> memref<1x128xi32, #tpu.memory_space<vmem>>
      %dma_wait3A_393 = tpu.memref_squeeze %dma_wait3A_392 : memref<1x128xi32, #tpu.memory_space<vmem>> -> memref<128xi32, #tpu.memory_space<vmem>>
      %dma_wait3A_394 = arith.constant 0 : i32
      %dma_wait3A_395 = arith.constant 0 : i32
      %dma_wait3A_396 = tpu.memref_slice %arg3[%dma_wait3A_394, %dma_wait3A_395] : memref<100000x64xf32, #tpu.memory_space<hbm>> -> memref<100000x64xf32, #tpu.memory_space<hbm>>
      tpu.wait_indirect_dma semaphore(%arg8 : memref<!tpu.dma_semaphore, #tpu.memory_space<semaphore_mem>>) src(%dma_wait3A_396 : memref<100000x64xf32, #tpu.memory_space<hbm>>) dst(%dma_wait3A_390 : memref<128x64xf32, #tpu.memory_space<vmem>>)
      %mul3A_397 = arith.constant 5 : i32
      %mul3A_398 = arith.muli %add3A_238, %mul3A_397 : i32
      %add3A_399 = arith.constant 1 : i32
      %add3A_400 = arith.addi %mul3A_398, %add3A_399 : i32
      %dma_wait3A_401 = arith.constant 128 : i32
      %dma_wait3A_402 = arith.constant 0 : i32
      %dma_wait3A_403 = tpu.memref_slice %arg6[%dma_wait3A_401, %dma_wait3A_402] : memref<640x64xf32, #tpu.memory_space<vmem>> -> memref<128x64xf32, #tpu.memory_space<vmem>>
      %dma_wait3A_404 = arith.constant 0 : i32
      %dma_wait3A_405 = tpu.memref_slice %arg5[%add3A_400, %dma_wait3A_404] : memref<250x128xi32, #tpu.memory_space<vmem>> -> memref<1x128xi32, #tpu.memory_space<vmem>>
      %dma_wait3A_406 = tpu.memref_squeeze %dma_wait3A_405 : memref<1x128xi32, #tpu.memory_space<vmem>> -> memref<128xi32, #tpu.memory_space<vmem>>
      %dma_wait3A_407 = arith.constant 0 : i32
      %dma_wait3A_408 = arith.constant 0 : i32
      %dma_wait3A_409 = tpu.memref_slice %arg3[%dma_wait3A_407, %dma_wait3A_408] : memref<100000x64xf32, #tpu.memory_space<hbm>> -> memref<100000x64xf32, #tpu.memory_space<hbm>>
      tpu.wait_indirect_dma semaphore(%arg8 : memref<!tpu.dma_semaphore, #tpu.memory_space<semaphore_mem>>) src(%dma_wait3A_409 : memref<100000x64xf32, #tpu.memory_space<hbm>>) dst(%dma_wait3A_403 : memref<128x64xf32, #tpu.memory_space<vmem>>)
      %mul3A_410 = arith.constant 5 : i32
      %mul3A_411 = arith.muli %add3A_238, %mul3A_410 : i32
      %add3A_412 = arith.constant 2 : i32
      %add3A_413 = arith.addi %mul3A_411, %add3A_412 : i32
      %dma_wait3A_414 = arith.constant 256 : i32
      %dma_wait3A_415 = arith.constant 0 : i32
      %dma_wait3A_416 = tpu.memref_slice %arg6[%dma_wait3A_414, %dma_wait3A_415] : memref<640x64xf32, #tpu.memory_space<vmem>> -> memref<128x64xf32, #tpu.memory_space<vmem>>
      %dma_wait3A_417 = arith.constant 0 : i32
      %dma_wait3A_418 = tpu.memref_slice %arg5[%add3A_413, %dma_wait3A_417] : memref<250x128xi32, #tpu.memory_space<vmem>> -> memref<1x128xi32, #tpu.memory_space<vmem>>
      %dma_wait3A_419 = tpu.memref_squeeze %dma_wait3A_418 : memref<1x128xi32, #tpu.memory_space<vmem>> -> memref<128xi32, #tpu.memory_space<vmem>>
      %dma_wait3A_420 = arith.constant 0 : i32
      %dma_wait3A_421 = arith.constant 0 : i32
      %dma_wait3A_422 = tpu.memref_slice %arg3[%dma_wait3A_420, %dma_wait3A_421] : memref<100000x64xf32, #tpu.memory_space<hbm>> -> memref<100000x64xf32, #tpu.memory_space<hbm>>
      tpu.wait_indirect_dma semaphore(%arg8 : memref<!tpu.dma_semaphore, #tpu.memory_space<semaphore_mem>>) src(%dma_wait3A_422 : memref<100000x64xf32, #tpu.memory_space<hbm>>) dst(%dma_wait3A_416 : memref<128x64xf32, #tpu.memory_space<vmem>>)
      %mul3A_423 = arith.constant 5 : i32
      %mul3A_424 = arith.muli %add3A_238, %mul3A_423 : i32
      %add3A_425 = arith.constant 3 : i32
      %add3A_426 = arith.addi %mul3A_424, %add3A_425 : i32
      %dma_wait3A_427 = arith.constant 384 : i32
      %dma_wait3A_428 = arith.constant 0 : i32
      %dma_wait3A_429 = tpu.memref_slice %arg6[%dma_wait3A_427, %dma_wait3A_428] : memref<640x64xf32, #tpu.memory_space<vmem>> -> memref<128x64xf32, #tpu.memory_space<vmem>>
      %dma_wait3A_430 = arith.constant 0 : i32
      %dma_wait3A_431 = tpu.memref_slice %arg5[%add3A_426, %dma_wait3A_430] : memref<250x128xi32, #tpu.memory_space<vmem>> -> memref<1x128xi32, #tpu.memory_space<vmem>>
      %dma_wait3A_432 = tpu.memref_squeeze %dma_wait3A_431 : memref<1x128xi32, #tpu.memory_space<vmem>> -> memref<128xi32, #tpu.memory_space<vmem>>
      %dma_wait3A_433 = arith.constant 0 : i32
      %dma_wait3A_434 = arith.constant 0 : i32
      %dma_wait3A_435 = tpu.memref_slice %arg3[%dma_wait3A_433, %dma_wait3A_434] : memref<100000x64xf32, #tpu.memory_space<hbm>> -> memref<100000x64xf32, #tpu.memory_space<hbm>>
      tpu.wait_indirect_dma semaphore(%arg8 : memref<!tpu.dma_semaphore, #tpu.memory_space<semaphore_mem>>) src(%dma_wait3A_435 : memref<100000x64xf32, #tpu.memory_space<hbm>>) dst(%dma_wait3A_429 : memref<128x64xf32, #tpu.memory_space<vmem>>)
      %mul3A_436 = arith.constant 5 : i32
      %mul3A_437 = arith.muli %add3A_238, %mul3A_436 : i32
      %add3A_438 = arith.constant 4 : i32
      %add3A_439 = arith.addi %mul3A_437, %add3A_438 : i32
      %dma_wait3A_440 = arith.constant 512 : i32
      %dma_wait3A_441 = arith.constant 0 : i32
      %dma_wait3A_442 = tpu.memref_slice %arg6[%dma_wait3A_440, %dma_wait3A_441] : memref<640x64xf32, #tpu.memory_space<vmem>> -> memref<128x64xf32, #tpu.memory_space<vmem>>
      %dma_wait3A_443 = arith.constant 0 : i32
      %dma_wait3A_444 = tpu.memref_slice %arg5[%add3A_439, %dma_wait3A_443] : memref<250x128xi32, #tpu.memory_space<vmem>> -> memref<1x128xi32, #tpu.memory_space<vmem>>
      %dma_wait3A_445 = tpu.memref_squeeze %dma_wait3A_444 : memref<1x128xi32, #tpu.memory_space<vmem>> -> memref<128xi32, #tpu.memory_space<vmem>>
      %dma_wait3A_446 = arith.constant 0 : i32
      %dma_wait3A_447 = arith.constant 0 : i32
      %dma_wait3A_448 = tpu.memref_slice %arg3[%dma_wait3A_446, %dma_wait3A_447] : memref<100000x64xf32, #tpu.memory_space<hbm>> -> memref<100000x64xf32, #tpu.memory_space<hbm>>
      tpu.wait_indirect_dma semaphore(%arg8 : memref<!tpu.dma_semaphore, #tpu.memory_space<semaphore_mem>>) src(%dma_wait3A_448 : memref<100000x64xf32, #tpu.memory_space<hbm>>) dst(%dma_wait3A_442 : memref<128x64xf32, #tpu.memory_space<vmem>>)
      %sub3A_449 = arith.constant 1 : i32
      %sub3A_450 = arith.subi %add3A_238, %sub3A_449 : i32
      %mul3A_451 = arith.constant 640 : i32
      %mul3A_452 = arith.muli %sub3A_450, %mul3A_451 : i32
      %add3A_453 = arith.addi %mul3A_2, %mul3A_452 : i32
      %dma_wait3A_454 = arith.constant 0 : i32
      %dma_wait3A_455 = tpu.memref_slice %arg4[%add3A_453, %dma_wait3A_454] : memref<1024000x64xf32, #tpu.memory_space<hbm>> -> memref<640x64xf32, #tpu.memory_space<hbm>>
      %dma_wait3A_456 = arith.constant 0 : i32
      %dma_wait3A_457 = tpu.memref_slice %arg4[%add3A_453, %dma_wait3A_456] : memref<1024000x64xf32, #tpu.memory_space<hbm>> -> memref<640x64xf32, #tpu.memory_space<hbm>>
      tpu.wait_dma2 semaphore(%arg11 : memref<!tpu.dma_semaphore, #tpu.memory_space<semaphore_mem>>) src(%arg7 : memref<640x64xf32, #tpu.memory_space<vmem>>) dst(%dma_wait3A_457 : memref<640x64xf32, #tpu.memory_space<hbm>>)
      %add3A_458 = arith.constant 1 : i32
      %add3A_459 = arith.addi %add3A_238, %add3A_458 : i32
      %mul3A_460 = arith.constant 5 : i32
      %mul3A_461 = arith.muli %add3A_459, %mul3A_460 : i32
      %add3A_462 = arith.constant 0 : i32
      %add3A_463 = arith.addi %mul3A_461, %add3A_462 : i32
      %dma_start3A_464 = arith.constant 0 : i32
      %dma_start3A_465 = arith.constant 0 : i32
      %dma_start3A_466 = tpu.memref_slice %arg7[%dma_start3A_464, %dma_start3A_465] : memref<640x64xf32, #tpu.memory_space<vmem>> -> memref<128x64xf32, #tpu.memory_space<vmem>>
      %dma_start3A_467 = arith.constant 0 : i32
      %dma_start3A_468 = tpu.memref_slice %arg5[%add3A_463, %dma_start3A_467] : memref<250x128xi32, #tpu.memory_space<vmem>> -> memref<1x128xi32, #tpu.memory_space<vmem>>
      %dma_start3A_469 = tpu.memref_squeeze %dma_start3A_468 : memref<1x128xi32, #tpu.memory_space<vmem>> -> memref<128xi32, #tpu.memory_space<vmem>>
      %dma_start3A_470 = arith.constant 0 : i32
      %dma_start3A_471 = arith.constant 0 : i32
      %dma_start3A_472 = tpu.memref_slice %arg3[%dma_start3A_470, %dma_start3A_471] : memref<100000x64xf32, #tpu.memory_space<hbm>> -> memref<100000x64xf32, #tpu.memory_space<hbm>>
      tpu.enqueue_indirect_dma source(%dma_start3A_472 : memref<100000x64xf32, #tpu.memory_space<hbm>>) target(%dma_start3A_466 : memref<128x64xf32, #tpu.memory_space<vmem>>) offsets(%dma_start3A_469 : memref<128xi32, #tpu.memory_space<vmem>>) semaphore(%arg9 : memref<!tpu.dma_semaphore, #tpu.memory_space<semaphore_mem>>)
      %mul3A_473 = arith.constant 5 : i32
      %mul3A_474 = arith.muli %add3A_459, %mul3A_473 : i32
      %add3A_475 = arith.constant 1 : i32
      %add3A_476 = arith.addi %mul3A_474, %add3A_475 : i32
      %dma_start3A_477 = arith.constant 128 : i32
      %dma_start3A_478 = arith.constant 0 : i32
      %dma_start3A_479 = tpu.memref_slice %arg7[%dma_start3A_477, %dma_start3A_478] : memref<640x64xf32, #tpu.memory_space<vmem>> -> memref<128x64xf32, #tpu.memory_space<vmem>>
      %dma_start3A_480 = arith.constant 0 : i32
      %dma_start3A_481 = tpu.memref_slice %arg5[%add3A_476, %dma_start3A_480] : memref<250x128xi32, #tpu.memory_space<vmem>> -> memref<1x128xi32, #tpu.memory_space<vmem>>
      %dma_start3A_482 = tpu.memref_squeeze %dma_start3A_481 : memref<1x128xi32, #tpu.memory_space<vmem>> -> memref<128xi32, #tpu.memory_space<vmem>>
      %dma_start3A_483 = arith.constant 0 : i32
      %dma_start3A_484 = arith.constant 0 : i32
      %dma_start3A_485 = tpu.memref_slice %arg3[%dma_start3A_483, %dma_start3A_484] : memref<100000x64xf32, #tpu.memory_space<hbm>> -> memref<100000x64xf32, #tpu.memory_space<hbm>>
      tpu.enqueue_indirect_dma source(%dma_start3A_485 : memref<100000x64xf32, #tpu.memory_space<hbm>>) target(%dma_start3A_479 : memref<128x64xf32, #tpu.memory_space<vmem>>) offsets(%dma_start3A_482 : memref<128xi32, #tpu.memory_space<vmem>>) semaphore(%arg9 : memref<!tpu.dma_semaphore, #tpu.memory_space<semaphore_mem>>)
      %mul3A_486 = arith.constant 5 : i32
      %mul3A_487 = arith.muli %add3A_459, %mul3A_486 : i32
      %add3A_488 = arith.constant 2 : i32
      %add3A_489 = arith.addi %mul3A_487, %add3A_488 : i32
      %dma_start3A_490 = arith.constant 256 : i32
      %dma_start3A_491 = arith.constant 0 : i32
      %dma_start3A_492 = tpu.memref_slice %arg7[%dma_start3A_490, %dma_start3A_491] : memref<640x64xf32, #tpu.memory_space<vmem>> -> memref<128x64xf32, #tpu.memory_space<vmem>>
      %dma_start3A_493 = arith.constant 0 : i32
      %dma_start3A_494 = tpu.memref_slice %arg5[%add3A_489, %dma_start3A_493] : memref<250x128xi32, #tpu.memory_space<vmem>> -> memref<1x128xi32, #tpu.memory_space<vmem>>
      %dma_start3A_495 = tpu.memref_squeeze %dma_start3A_494 : memref<1x128xi32, #tpu.memory_space<vmem>> -> memref<128xi32, #tpu.memory_space<vmem>>
      %dma_start3A_496 = arith.constant 0 : i32
      %dma_start3A_497 = arith.constant 0 : i32
      %dma_start3A_498 = tpu.memref_slice %arg3[%dma_start3A_496, %dma_start3A_497] : memref<100000x64xf32, #tpu.memory_space<hbm>> -> memref<100000x64xf32, #tpu.memory_space<hbm>>
      tpu.enqueue_indirect_dma source(%dma_start3A_498 : memref<100000x64xf32, #tpu.memory_space<hbm>>) target(%dma_start3A_492 : memref<128x64xf32, #tpu.memory_space<vmem>>) offsets(%dma_start3A_495 : memref<128xi32, #tpu.memory_space<vmem>>) semaphore(%arg9 : memref<!tpu.dma_semaphore, #tpu.memory_space<semaphore_mem>>)
      %mul3A_499 = arith.constant 5 : i32
      %mul3A_500 = arith.muli %add3A_459, %mul3A_499 : i32
      %add3A_501 = arith.constant 3 : i32
      %add3A_502 = arith.addi %mul3A_500, %add3A_501 : i32
      %dma_start3A_503 = arith.constant 384 : i32
      %dma_start3A_504 = arith.constant 0 : i32
      %dma_start3A_505 = tpu.memref_slice %arg7[%dma_start3A_503, %dma_start3A_504] : memref<640x64xf32, #tpu.memory_space<vmem>> -> memref<128x64xf32, #tpu.memory_space<vmem>>
      %dma_start3A_506 = arith.constant 0 : i32
      %dma_start3A_507 = tpu.memref_slice %arg5[%add3A_502, %dma_start3A_506] : memref<250x128xi32, #tpu.memory_space<vmem>> -> memref<1x128xi32, #tpu.memory_space<vmem>>
      %dma_start3A_508 = tpu.memref_squeeze %dma_start3A_507 : memref<1x128xi32, #tpu.memory_space<vmem>> -> memref<128xi32, #tpu.memory_space<vmem>>
      %dma_start3A_509 = arith.constant 0 : i32
      %dma_start3A_510 = arith.constant 0 : i32
      %dma_start3A_511 = tpu.memref_slice %arg3[%dma_start3A_509, %dma_start3A_510] : memref<100000x64xf32, #tpu.memory_space<hbm>> -> memref<100000x64xf32, #tpu.memory_space<hbm>>
      tpu.enqueue_indirect_dma source(%dma_start3A_511 : memref<100000x64xf32, #tpu.memory_space<hbm>>) target(%dma_start3A_505 : memref<128x64xf32, #tpu.memory_space<vmem>>) offsets(%dma_start3A_508 : memref<128xi32, #tpu.memory_space<vmem>>) semaphore(%arg9 : memref<!tpu.dma_semaphore, #tpu.memory_space<semaphore_mem>>)
      %mul3A_512 = arith.constant 5 : i32
      %mul3A_513 = arith.muli %add3A_459, %mul3A_512 : i32
      %add3A_514 = arith.constant 4 : i32
      %add3A_515 = arith.addi %mul3A_513, %add3A_514 : i32
      %dma_start3A_516 = arith.constant 512 : i32
      %dma_start3A_517 = arith.constant 0 : i32
      %dma_start3A_518 = tpu.memref_slice %arg7[%dma_start3A_516, %dma_start3A_517] : memref<640x64xf32, #tpu.memory_space<vmem>> -> memref<128x64xf32, #tpu.memory_space<vmem>>
      %dma_start3A_519 = arith.constant 0 : i32
      %dma_start3A_520 = tpu.memref_slice %arg5[%add3A_515, %dma_start3A_519] : memref<250x128xi32, #tpu.memory_space<vmem>> -> memref<1x128xi32, #tpu.memory_space<vmem>>
      %dma_start3A_521 = tpu.memref_squeeze %dma_start3A_520 : memref<1x128xi32, #tpu.memory_space<vmem>> -> memref<128xi32, #tpu.memory_space<vmem>>
      %dma_start3A_522 = arith.constant 0 : i32
      %dma_start3A_523 = arith.constant 0 : i32
      %dma_start3A_524 = tpu.memref_slice %arg3[%dma_start3A_522, %dma_start3A_523] : memref<100000x64xf32, #tpu.memory_space<hbm>> -> memref<100000x64xf32, #tpu.memory_space<hbm>>
      tpu.enqueue_indirect_dma source(%dma_start3A_524 : memref<100000x64xf32, #tpu.memory_space<hbm>>) target(%dma_start3A_518 : memref<128x64xf32, #tpu.memory_space<vmem>>) offsets(%dma_start3A_521 : memref<128xi32, #tpu.memory_space<vmem>>) semaphore(%arg9 : memref<!tpu.dma_semaphore, #tpu.memory_space<semaphore_mem>>)
      %mul3A_525 = arith.constant 640 : i32
      %mul3A_526 = arith.muli %add3A_238, %mul3A_525 : i32
      %add3A_527 = arith.addi %mul3A_2, %mul3A_526 : i32
      %dma_start3A_528 = arith.constant 0 : i32
      %dma_start3A_529 = tpu.memref_slice %arg4[%add3A_527, %dma_start3A_528] : memref<1024000x64xf32, #tpu.memory_space<hbm>> -> memref<640x64xf32, #tpu.memory_space<hbm>>
      %dma_start3A_530 = arith.constant 0 : i32
      %dma_start3A_531 = tpu.memref_slice %arg4[%add3A_527, %dma_start3A_530] : memref<1024000x64xf32, #tpu.memory_space<hbm>> -> memref<640x64xf32, #tpu.memory_space<hbm>>
      tpu.enqueue_dma source(%arg6 : memref<640x64xf32, #tpu.memory_space<vmem>>) target(%dma_start3A_531 : memref<640x64xf32, #tpu.memory_space<hbm>>) target_semaphore(%arg10 : memref<!tpu.dma_semaphore, #tpu.memory_space<semaphore_mem>>)
    }
    %scan3A_161 = arith.constant 24 : i32
    %dma_wait3A_162 = arith.constant 245 : i32
    %dma_wait3A_163 = arith.constant 0 : i32
    %dma_wait3A_164 = arith.constant 0 : i32
    %dma_wait3A_165 = tpu.memref_slice %arg7[%dma_wait3A_163, %dma_wait3A_164] : memref<640x64xf32, #tpu.memory_space<vmem>> -> memref<128x64xf32, #tpu.memory_space<vmem>>
    %dma_wait3A_166 = arith.constant 0 : i32
    %dma_wait3A_167 = tpu.memref_slice %arg5[%dma_wait3A_162, %dma_wait3A_166] : memref<250x128xi32, #tpu.memory_space<vmem>> -> memref<1x128xi32, #tpu.memory_space<vmem>>
    %dma_wait3A_168 = tpu.memref_squeeze %dma_wait3A_167 : memref<1x128xi32, #tpu.memory_space<vmem>> -> memref<128xi32, #tpu.memory_space<vmem>>
    %dma_wait3A_169 = arith.constant 0 : i32
    %dma_wait3A_170 = arith.constant 0 : i32
    %dma_wait3A_171 = tpu.memref_slice %arg3[%dma_wait3A_169, %dma_wait3A_170] : memref<100000x64xf32, #tpu.memory_space<hbm>> -> memref<100000x64xf32, #tpu.memory_space<hbm>>
    tpu.wait_indirect_dma semaphore(%arg9 : memref<!tpu.dma_semaphore, #tpu.memory_space<semaphore_mem>>) src(%dma_wait3A_171 : memref<100000x64xf32, #tpu.memory_space<hbm>>) dst(%dma_wait3A_165 : memref<128x64xf32, #tpu.memory_space<vmem>>)
    %dma_wait3A_172 = arith.constant 246 : i32
    %dma_wait3A_173 = arith.constant 128 : i32
    %dma_wait3A_174 = arith.constant 0 : i32
    %dma_wait3A_175 = tpu.memref_slice %arg7[%dma_wait3A_173, %dma_wait3A_174] : memref<640x64xf32, #tpu.memory_space<vmem>> -> memref<128x64xf32, #tpu.memory_space<vmem>>
    %dma_wait3A_176 = arith.constant 0 : i32
    %dma_wait3A_177 = tpu.memref_slice %arg5[%dma_wait3A_172, %dma_wait3A_176] : memref<250x128xi32, #tpu.memory_space<vmem>> -> memref<1x128xi32, #tpu.memory_space<vmem>>
    %dma_wait3A_178 = tpu.memref_squeeze %dma_wait3A_177 : memref<1x128xi32, #tpu.memory_space<vmem>> -> memref<128xi32, #tpu.memory_space<vmem>>
    %dma_wait3A_179 = arith.constant 0 : i32
    %dma_wait3A_180 = arith.constant 0 : i32
    %dma_wait3A_181 = tpu.memref_slice %arg3[%dma_wait3A_179, %dma_wait3A_180] : memref<100000x64xf32, #tpu.memory_space<hbm>> -> memref<100000x64xf32, #tpu.memory_space<hbm>>
    tpu.wait_indirect_dma semaphore(%arg9 : memref<!tpu.dma_semaphore, #tpu.memory_space<semaphore_mem>>) src(%dma_wait3A_181 : memref<100000x64xf32, #tpu.memory_space<hbm>>) dst(%dma_wait3A_175 : memref<128x64xf32, #tpu.memory_space<vmem>>)
    %dma_wait3A_182 = arith.constant 247 : i32
    %dma_wait3A_183 = arith.constant 256 : i32
    %dma_wait3A_184 = arith.constant 0 : i32
    %dma_wait3A_185 = tpu.memref_slice %arg7[%dma_wait3A_183, %dma_wait3A_184] : memref<640x64xf32, #tpu.memory_space<vmem>> -> memref<128x64xf32, #tpu.memory_space<vmem>>
    %dma_wait3A_186 = arith.constant 0 : i32
    %dma_wait3A_187 = tpu.memref_slice %arg5[%dma_wait3A_182, %dma_wait3A_186] : memref<250x128xi32, #tpu.memory_space<vmem>> -> memref<1x128xi32, #tpu.memory_space<vmem>>
    %dma_wait3A_188 = tpu.memref_squeeze %dma_wait3A_187 : memref<1x128xi32, #tpu.memory_space<vmem>> -> memref<128xi32, #tpu.memory_space<vmem>>
    %dma_wait3A_189 = arith.constant 0 : i32
    %dma_wait3A_190 = arith.constant 0 : i32
    %dma_wait3A_191 = tpu.memref_slice %arg3[%dma_wait3A_189, %dma_wait3A_190] : memref<100000x64xf32, #tpu.memory_space<hbm>> -> memref<100000x64xf32, #tpu.memory_space<hbm>>
    tpu.wait_indirect_dma semaphore(%arg9 : memref<!tpu.dma_semaphore, #tpu.memory_space<semaphore_mem>>) src(%dma_wait3A_191 : memref<100000x64xf32, #tpu.memory_space<hbm>>) dst(%dma_wait3A_185 : memref<128x64xf32, #tpu.memory_space<vmem>>)
    %dma_wait3A_192 = arith.constant 248 : i32
    %dma_wait3A_193 = arith.constant 384 : i32
    %dma_wait3A_194 = arith.constant 0 : i32
    %dma_wait3A_195 = tpu.memref_slice %arg7[%dma_wait3A_193, %dma_wait3A_194] : memref<640x64xf32, #tpu.memory_space<vmem>> -> memref<128x64xf32, #tpu.memory_space<vmem>>
    %dma_wait3A_196 = arith.constant 0 : i32
    %dma_wait3A_197 = tpu.memref_slice %arg5[%dma_wait3A_192, %dma_wait3A_196] : memref<250x128xi32, #tpu.memory_space<vmem>> -> memref<1x128xi32, #tpu.memory_space<vmem>>
    %dma_wait3A_198 = tpu.memref_squeeze %dma_wait3A_197 : memref<1x128xi32, #tpu.memory_space<vmem>> -> memref<128xi32, #tpu.memory_space<vmem>>
    %dma_wait3A_199 = arith.constant 0 : i32
    %dma_wait3A_200 = arith.constant 0 : i32
    %dma_wait3A_201 = tpu.memref_slice %arg3[%dma_wait3A_199, %dma_wait3A_200] : memref<100000x64xf32, #tpu.memory_space<hbm>> -> memref<100000x64xf32, #tpu.memory_space<hbm>>
    tpu.wait_indirect_dma semaphore(%arg9 : memref<!tpu.dma_semaphore, #tpu.memory_space<semaphore_mem>>) src(%dma_wait3A_201 : memref<100000x64xf32, #tpu.memory_space<hbm>>) dst(%dma_wait3A_195 : memref<128x64xf32, #tpu.memory_space<vmem>>)
    %dma_wait3A_202 = arith.constant 249 : i32
    %dma_wait3A_203 = arith.constant 512 : i32
    %dma_wait3A_204 = arith.constant 0 : i32
    %dma_wait3A_205 = tpu.memref_slice %arg7[%dma_wait3A_203, %dma_wait3A_204] : memref<640x64xf32, #tpu.memory_space<vmem>> -> memref<128x64xf32, #tpu.memory_space<vmem>>
    %dma_wait3A_206 = arith.constant 0 : i32
    %dma_wait3A_207 = tpu.memref_slice %arg5[%dma_wait3A_202, %dma_wait3A_206] : memref<250x128xi32, #tpu.memory_space<vmem>> -> memref<1x128xi32, #tpu.memory_space<vmem>>
    %dma_wait3A_208 = tpu.memref_squeeze %dma_wait3A_207 : memref<1x128xi32, #tpu.memory_space<vmem>> -> memref<128xi32, #tpu.memory_space<vmem>>
    %dma_wait3A_209 = arith.constant 0 : i32
    %dma_wait3A_210 = arith.constant 0 : i32
    %dma_wait3A_211 = tpu.memref_slice %arg3[%dma_wait3A_209, %dma_wait3A_210] : memref<100000x64xf32, #tpu.memory_space<hbm>> -> memref<100000x64xf32, #tpu.memory_space<hbm>>
    tpu.wait_indirect_dma semaphore(%arg9 : memref<!tpu.dma_semaphore, #tpu.memory_space<semaphore_mem>>) src(%dma_wait3A_211 : memref<100000x64xf32, #tpu.memory_space<hbm>>) dst(%dma_wait3A_205 : memref<128x64xf32, #tpu.memory_space<vmem>>)
    %add3A_212 = arith.constant 30720 : i32
    %add3A_213 = arith.addi %mul3A_2, %add3A_212 : i32
    %dma_wait3A_214 = arith.constant 0 : i32
    %dma_wait3A_215 = tpu.memref_slice %arg4[%add3A_213, %dma_wait3A_214] : memref<1024000x64xf32, #tpu.memory_space<hbm>> -> memref<640x64xf32, #tpu.memory_space<hbm>>
    %dma_wait3A_216 = arith.constant 0 : i32
    %dma_wait3A_217 = tpu.memref_slice %arg4[%add3A_213, %dma_wait3A_216] : memref<1024000x64xf32, #tpu.memory_space<hbm>> -> memref<640x64xf32, #tpu.memory_space<hbm>>
    tpu.wait_dma2 semaphore(%arg10 : memref<!tpu.dma_semaphore, #tpu.memory_space<semaphore_mem>>) src(%arg6 : memref<640x64xf32, #tpu.memory_space<vmem>>) dst(%dma_wait3A_217 : memref<640x64xf32, #tpu.memory_space<hbm>>)
    %add3A_218 = arith.constant 31360 : i32
    %add3A_219 = arith.addi %mul3A_2, %add3A_218 : i32
    %dma_start3A_220 = arith.constant 0 : i32
    %dma_start3A_221 = tpu.memref_slice %arg4[%add3A_219, %dma_start3A_220] : memref<1024000x64xf32, #tpu.memory_space<hbm>> -> memref<640x64xf32, #tpu.memory_space<hbm>>
    %dma_start3A_222 = arith.constant 0 : i32
    %dma_start3A_223 = tpu.memref_slice %arg4[%add3A_219, %dma_start3A_222] : memref<1024000x64xf32, #tpu.memory_space<hbm>> -> memref<640x64xf32, #tpu.memory_space<hbm>>
    tpu.enqueue_dma source(%arg7 : memref<640x64xf32, #tpu.memory_space<vmem>>) target(%dma_start3A_223 : memref<640x64xf32, #tpu.memory_space<hbm>>) target_semaphore(%arg11 : memref<!tpu.dma_semaphore, #tpu.memory_space<semaphore_mem>>)
    %add3A_224 = arith.constant 31360 : i32
    %add3A_225 = arith.addi %mul3A_2, %add3A_224 : i32
    %dma_wait3A_226 = arith.constant 0 : i32
    %dma_wait3A_227 = tpu.memref_slice %arg4[%add3A_225, %dma_wait3A_226] : memref<1024000x64xf32, #tpu.memory_space<hbm>> -> memref<640x64xf32, #tpu.memory_space<hbm>>
    %dma_wait3A_228 = arith.constant 0 : i32
    %dma_wait3A_229 = tpu.memref_slice %arg4[%add3A_225, %dma_wait3A_228] : memref<1024000x64xf32, #tpu.memory_space<hbm>> -> memref<640x64xf32, #tpu.memory_space<hbm>>
    tpu.wait_dma2 semaphore(%arg11 : memref<!tpu.dma_semaphore, #tpu.memory_space<semaphore_mem>>) src(%arg7 : memref<640x64xf32, #tpu.memory_space<vmem>>) dst(%dma_wait3A_229 : memref<640x64xf32, #tpu.memory_space<hbm>>)
    return
  }
}

</mosaic_0001>

<sc_bundles>
// kernel: _gather.3.cloned.1.call-start
scs
__scs_entry_jumppad:
0x0: {  	(pc) =	sbr.rel $0x88, $3  }
0x1: {  	(tag) =	ssettag $0x0;
	lr =	simm.s32 $0x1  }
0x2: {  	[smem:$0x3F9F] =	sst lr;
	_ =	strace $0xD0000000  }
0x3: {  	_ = 	snop  }
0x4: {  	_ = 	snop  }
0x5: {  	_ = 	snop  }
0x6: {  	_ = 	snop  }
0x7: {  	_ = 	snop  }
__scs_overlays_trampoline_lowered:
0x8: {  	[smem:$0x3FAE] =	sst s0  }
0x9: {  	[smem:$0x3FAF] =	sst s1  }
0xa: {  	[smem:$0x3FB0] =	sst s2  }
0xb: {  	[smem:$0x3FB1] =	sst s3  }
0xc: {  	[smem:$0x3FB2] =	sst s4  }
0xd: {  	[smem:$0x3FB3] =	sst s5  }
0xe: {  	[smem:$0x3FB4] =	sst s6  }
0xf: {  	[smem:$0x3FB5] =	sst s7  }
0x10: {  	[smem:$0x3FB6] =	sst s8  }
0x11: {  	[smem:$0x3FB7] =	sst s9;
	s0 =	simm.s32 @!p0 $0x0  }
0x12: {  	s1 =	sld [smem:$0x3F9D];
	s0 =	simm.s32 @p0 $0x1  }
0x13: {  	[smem:$0x3FB8] =	sst s0;
	s0 =	simm.s32 @!p1 $0x0  }
0x14: {  	s2 =	sld [smem:$0x3F9C];
	s0 =	simm.s32 @p1 $0x1  }
0x15: {  	[smem:$0x3FB9] =	sst s0;
	s0 =	simm.s32 @!p2 $0x0  }
0x16: {  	s3 =	sld [smem:$0x3FDB];
	s0 =	simm.s32 @p2 $0x1  }
0x17: {  	s4 =	simm.s32 $0x1BF5;
	[smem:$0x3FBB] =	sst s0  }
0x18: {  	s0 =	sld [smem:$0x3F9E];
	_ =	swait.ge [sflag:s4], $0x0  }
0x19: {  	s7 =	sld [smem:$0x3F9F]  }
0x1a: {  	s8 =	sadd.s32 $0xFFFFE003, lr  }
0x1b: {  	s9 =	sadd.s32 $0xFFFFFEF7, lr;
	s5 =	simm.s32 $0xFFFFFFFF;
	p2 =	slt.u32 s8, $0xFFFFF086  }
0x1c: {  	p1 =	slt.u32 s9, $0xF7A;
	s5 =	simm.s32 @!p2 $0x0  }
0x1d: {  	s5 =	simm.s32 @p1 $0x1;
	p0 =	seq.s32 s7, s2  }
0x1e: {  	s7 =	smul.u32 @!p0 $0xF7A, s2;
	p2 =	seq.s32 @!p0 s5, $0x0  }
0x1f: {  	s9 =	smul.u32 $0xF7A, s1;
	s8 =	simm.s32 @!p0 $0x1BF5;
	p2 =	por !p2, p0  }
0x20: {  	[sflag:s8] =	ssyncset.s32 @!p0 $0xFFFFF086;
	s6 =	sadd.s32 @!p0 s3, s7;
	s7 =	simm.s32 @!p0 $0x108  }
0x21: {  	s3 =	sadd.s32 s3, s9;
	s6 =	sadd.s32 @!p0 $0x88, s6;
	s7 =	simm.s32 @p2 $0x1082  }
0x22: {  	[simem:s7], [sflag:s8] =	dma.local @!p0 [hbm:s6], $0xF7A  }
0x23: {  	s9 =	sor.u32 $0xD0000000, s2;
	s6 =	simm.s32 $0x108;
	_ =	swait.ge @!p0 [sflag:s8], $0x0  }
0x24: {  	s3 =	sadd.s32 $0x88, s3;
	s6 =	simm.s32 @!p1 $0x1082;
	[sflag:s4] =	ssyncset.s32 $0xFFFFF086  }
0x25: {  	[simem:s6], [sflag:s4] =	dma.local [hbm:s3], $0xF7A  }
0x26: {  	[smem:$0x3F9F] =	sst s1;
	(tag) =	ssettag s2;
	_ =	strace s9  }
0x27: {  	s1 =	sld [smem:$0x3FAF]  }
0x28: {  	s2 =	sld [smem:$0x3FB0]  }
0x29: {  	s4 =	sld [smem:$0x3FB2]  }
0x2a: {  	p0 =	seq.s32 s5, $0x0;
	s5 =	sld [smem:$0x3FB3]  }
0x2b: {  	s6 =	sld [smem:$0x3FB4]  }
0x2c: {  	s7 =	sld [smem:$0x3FB5]  }
0x2d: {  	s3 =	simm.s32 $0x108;
	s8 =	sld [smem:$0x3FB6]  }
0x2e: {  	s3 =	simm.s32 @!p0 $0x1082;
	s9 =	sld [smem:$0x3FB7]  }
0x2f: {  	lr =	sadd.s32 s0, s3;
	s0 =	sld [smem:$0x3FAE]  }
0x30: {  	s3 =	sld [smem:$0x3FB1]  }
0x31: {  	[smem:$0x3FBA] =	sst s10  }
0x32: {  	s10 =	sld [smem:$0x3FB8];
	_ =	sdelay $0x3  }
0x33: {  	p0 =	seq.s32 s10, $0x1;
	s10 =	sld [smem:$0x3FBA];
	_ =	sdelay $0x3  }
0x34: {  	[smem:$0x3FBA] =	sst s10  }
0x35: {  	s10 =	sld [smem:$0x3FB9];
	_ =	sdelay $0x3  }
0x36: {  	p1 =	seq.s32 s10, $0x1;
	s10 =	sld [smem:$0x3FBA];
	_ =	sdelay $0x3  }
0x37: {  	[smem:$0x3FBA] =	sst s10  }
0x38: {  	s10 =	sld [smem:$0x3FBB]  }
0x39: {  	_ = 	snop;
	(pc) =	sbr.ind lr, $3  }
0x3a: {  	_ = 	snop  }
0x3b: {  	_ = 	snop  }
0x3c: {  	p2 =	seq.s32 s10, $0x1;
	s10 =	sld [smem:$0x3FBA]  }
0x3d: {  	_ =	shalt  }
0x3e: {  	_ =	shalt  }
0x3f: {  	_ =	shalt  }
0x40: {  	_ =	shalt  }
0x41: {  	_ =	shalt  }
0x42: {  	_ =	shalt  }
0x43: {  	_ =	shalt  }
0x44: {  	_ =	shalt  }
0x45: {  	_ =	shalt  }
0x46: {  	_ =	shalt  }
0x47: {  	_ =	shalt  }
0x48: {  	_ =	shalt  }
0x49: {  	_ =	shalt  }
0x4a: {  	_ =	shalt  }
0x4b: {  	_ =	shalt  }
0x4c: {  	_ =	shalt  }
0x4d: {  	_ =	shalt  }
0x4e: {  	_ =	shalt  }
0x4f: {  	_ =	shalt  }
0x50: {  	_ =	shalt  }
0x51: {  	_ =	shalt  }
0x52: {  	_ =	shalt  }
0x53: {  	_ =	shalt  }
0x54: {  	_ =	shalt  }
0x55: {  	_ =	shalt  }
0x56: {  	_ =	shalt  }
0x57: {  	_ =	shalt  }
0x58: {  	_ =	shalt  }
0x59: {  	_ =	shalt  }
0x5a: {  	_ =	shalt  }
0x5b: {  	_ =	shalt  }
0x5c: {  	_ =	shalt  }
0x5d: {  	_ =	shalt  }
0x5e: {  	_ =	shalt  }
0x5f: {  	_ =	shalt  }
0x60: {  	_ =	shalt  }
0x61: {  	_ =	shalt  }
0x62: {  	_ =	shalt  }
0x63: {  	_ =	shalt  }
0x64: {  	_ =	shalt  }
0x65: {  	_ =	shalt  }
0x66: {  	_ =	shalt  }
0x67: {  	_ =	shalt  }
0x68: {  	_ =	shalt  }
0x69: {  	_ =	shalt  }
0x6a: {  	_ =	shalt  }
0x6b: {  	_ =	shalt  }
0x6c: {  	_ =	shalt  }
0x6d: {  	_ =	shalt  }
0x6e: {  	_ =	shalt  }
0x6f: {  	_ =	shalt  }
0x70: {  	_ =	shalt  }
0x71: {  	_ =	shalt  }
0x72: {  	_ =	shalt  }
0x73: {  	_ =	shalt  }
0x74: {  	_ =	shalt  }
0x75: {  	_ =	shalt  }
0x76: {  	_ =	shalt  }
0x77: {  	_ =	shalt  }
0x78: {  	_ =	shalt  }
0x79: {  	_ =	shalt  }
0x7a: {  	_ =	shalt  }
0x7b: {  	_ =	shalt  }
0x7c: {  	_ =	shalt  }
0x7d: {  	_ =	shalt  }
0x7e: {  	_ =	shalt  }
0x7f: {  	_ =	shalt  }
0x80: {  	_ =	shalt  }
0x81: {  	_ =	shalt  }
0x82: {  	_ =	shalt  }
0x83: {  	_ =	shalt  }
0x84: {  	_ =	shalt  }
0x85: {  	_ =	shalt  }
0x86: {  	_ =	shalt  }
0x87: {  	_ =	shalt  }
.Lfunc_end0:
.L_simem_size_0:
called_computation.1_lowered:
.L_overlay_start_0:
0x88: {  	s2 =	sld [smem:$0x3FD9]  }
0x89: {  	s3 =	sld [smem:$0x3FFE];
	_ =	sdelay $0x1  }
0x8a: {  	s1 =	srdreg.scid  }
0x8b: {  	s0 =	sand.u32 $0x1, s1  }
0x8c: {  	s17 =	sshll.u32 s0, $0xA;
	s2 =	sadd.s32 s3, s2  }
0x8d: {  	s2 =	sadd.s32 s2, s17  }
0x8e: {  	[smem:$0x3FC6] =	sst s2  }
0x8f: {  	_ = 	snop  }
0x90: {  	s2 =	sld [smem:$0x3FD0];
	(tm) =	ssettm $0x1  }
0x91: {  	s18 =	sld [smem:$0x3FFB];
	_ =	sdelay $0x3  }
0x92: {  	_ =	strace s18  }
0x93: {  	s3 =	sld [smem:$0x3FFC];
	_ =	sdelay $0x3  }
0x94: {  	_ =	strace s3  }
0x95: {  	s3 =	sld [smem:$0x3FFD];
	_ =	sdelay $0x3  }
0x96: {  	_ =	strace s3  }
0x97: {  	_ =	strace $0x8FFFFFFF  }
0x98: {  	s19 =	sld [smem:$0x3FDB];
	_ =	sdelay $0x1  }
0x99: {  	s4 =	simm.s32 $_scs_section_size  }
0x9a: {  	s5 =	simm.s32 $_size__tile_overlayer_lowered;
	s6 =	simm.s32 $_tile_overlayer_lowered  }
0x9b: {  	s22 =	simm.s32 $0x1BFF;
	s21 =	sshll.u32 s6, $0x1;
	s3 =	sadd.s32 s4, s19  }
0x9c: {  	s7 =	simm.s32 $0x0;
	s20 =	sshll.u32 s5, $0x1;
	s5 =	sadd.s32 s21, s3  }
0x9d: {  	[timem:s7], [sflag:s22] =	dma.local [hbm:s5], s20  }
0x9e: {  	_ =	swait.ge [sflag:s22], s20  }
0x9f: {  	s4 =	ssub.s32 $0x0, s20;
	[sflag:s22] =	ssyncset.done $0x0  }
0xa0: {  	[sflag:s22] =	ssyncadd.s32 s4;
	_ =	sdelay $0x1  }
0xa1: {  	s23 =	simm.s32 $0x1B8B  }
0xa2: {  	_ =	swait.ge [sflag:s23], $0x1  }
0xa3: {  	[sflag:s23] =	ssyncset.done $0x0  }
0xa4: {  	s25 =	simm.s32 $0x1B8E;
	s24 =	sld [smem:$0x3FFE];
	[sflag:s23] =	ssyncadd.s32 $0xFFFFFFFF  }
0xa5: {  	s26 =	simm.s32 $execute0_lowered;
	[smem:$0x3FD2] =	sst s25  }
0xa6: {  	s5 =	sshll.u32 s26, $0x1;
	_ =	strace $0x80000046;
	[dreg:$0x1] =	wrdreg $0xFFFFFFFF  }
0xa7: {  	s28 =	simm.s32 $_size_execute0_lowered;
	s3 =	sadd.s32 s3, s5;
	[dreg:$0x0] =	wrdreg $0x0  }
0xa8: {  	s5 =	sshll.u32 s28, $0x1;
	[dreg:$0x2] =	wrdreg s3  }
0xa9: {  	[dreg:$0x3] =	wrdreg s5  }
0xaa: {  	[dreg:$0x4] =	wrdreg $0xC0  }
0xab: {  	_ =	task [dreg:s7], $0x5FFFF  }
0xac: {  	[dreg:$0x1] =	wrdreg $0xFFFFFFFF  }
0xad: {  	[dreg:$0x0] =	wrdreg $0x60  }
0xae: {  	[dreg:$0x2] =	wrdreg s24  }
0xaf: {  	[dreg:$0x3] =	wrdreg s2  }
0xb0: {  	[dreg:$0x4] =	wrdreg $0x9  }
0xb1: {  	_ =	task.clear_ibuf [dreg:s7], $0x5FFFF;
	_ =	strace $0x90000046  }
0xb2: {  	s29 =	simm.s32 $0x9;
	_ =	strace $0x80000048  }
0xb3: {  	_ =	swait.ge [sflag:s29], $0x1  }
0xb4: {  	[sflag:s29] =	ssyncadd.s32 $0xFFFFFFFF  }
0xb5: {  	_ =	strace $0x90000048  }
0xb6: {  	_ =	sfence  }
0xb7: {  	s30 =	sld [smem:$0x0];
	_ =	sdelay $0x2  }
0xb8: {  	s31 =	sshll.u32 s1, $0xD;
	s1 =	sshrl.u32 s1, $0x2  }
0xb9: {  	s3 =	sand.u32 $0x4000, s31;
	s1 =	sadd.s32 s1, s30  }
0xba: {  	s0 =	sor.u32 s3, s0;
	s1 =	sshll.u32 s1, $0x11  }
0xbb: {  	s0 =	sor.u32 s1, s0  }
0xbc: {  	s0 =	sadd.s32 $0x8F2B, s0  }
0xbd: {  	[sflag:s0] =	ssyncadd.remote.s32 $0x1  }
0xbe: {  	_ =	sfence.sel $0xFFFF  }
0xbf: {  	[dreg:$0x0] =	wrdreg $0xFFFFFFFF;
	(pc) =	sbr.abs _section_cstart, $3  }
0xc0: {  	[dreg:$0x1] =	wrdreg $0xFFFFFFFF  }
0xc1: {  	_ =	task.clear_ibuf [dreg:s7], $0x2FFFF;
	_ =	strace $0x9FFFFFFF  }
0xc2: {  	(tm) =	ssettm $0x7FFFFFFF  }
0xc3: {  	_ =	shalt  }
tec
execute0_lowered:
.L_overlay_start_1:
0x0: {  	(tag) =	ssettag $0x1  }
0x1: {  	s0 =	rddreg [dreg:$0x0];
	s1 =	srdreg.scid  }
0x2: {  	s7 =	stileid.u32;
	s8 =	rddreg [dreg:$0x1]  }
0x3: {  	s2 =	simm.s32 $0x0;
	s11 =	simm.s32 $0x80;
	s12 =	simm.s32 $0x7D00  }
0x4: {  	s13 =	simm.s32 $0x9D00;
	s15 =	simm.s32 $0xBD00;
	s17 =	simm.s32 $0xDD00  }
0x5: {  	s19 =	simm.s32 $0xFD00;
	s20 =	simm.s32 $0x1;
	s22 =	simm.s32 $0x11D00  }
0x6: {  	s29 =	simm.s32 $0x17D00;
	s31 =	simm.s32 $0x19D00;
	s14 =	simm.s32 $0x4  }
0x7: {  	s1 =	sand.u32 $0x1, s1;
	s3 =	sshll.u32 s7, $0x1;
	s7 =	smul.u32 $0xFA00, s7  }
0x8: {  	s4 =	sor.u32 s1, s3;
	s6 =	ssub.s32 $0x2, s1;
	s1 =	smul.u32 $0x7D00, s1  }
0x9: {  	s16 =	simm.s32 $0x0;
	[smem:$0x7FF] =	sst s2;
	s3 =	smul.u32 $0x7D00, s4  }
0xa: {  	_ =	strace $0x80000047;
	s5 =	smul.u32 $0x1F4000, s4;
	s10 =	sshrl.u32 s6, $0x1  }
0xb: {  	s25 =	smul.u32 $0x3E800, s4;
	s24 =	ssub.s32 s6, s10;
	s1 =	sadd.s32 s1, s7  }
0xc: {  	s10 =	simm.s32 $0x5;
	s3 =	sshrl.u32 s3, $0x3;
	s26 =	sshrl.u32 s5, $0x3  }
0xd: {  	s5 =	sadd.s32 s8, s25;
	s1 =	sshll.u32 s1, $0x3;
	s7 =	smax.u32 s24, $0x1  }
0xe: {  	s24 =	simm.s32 $0x13D00;
	s9 =	sadd.s32 s3, s0;
	s3 =	sadd.s32 $0x1FC00, s0  }
0xf: {  	s28 =	sadd.s32 s8, s26;
	s30 =	sadd.s32 s8, s1;
	s26 =	simm.s32 $0x15D00  }
0x10: {  	s1 =	simm.s32 $0x2;
	s0 =	simm.s32 $0x3;
	s4 =	sadd.s32 $0x800, s9  }
0x11: {  	s6 =	sadd.s32 $0x3D400, s28;
	s8 =	sadd.s32 $0x1400, s30;
	s25 =	sadd.s32 $0x2800, s30  }
.LBB2_1:
0x12: {  	[tilespmem:s2], [sflag:$0x5] =	stream.linear.gather [hbm4b:s4+s2], $0x7D00, $0x38;
	[tilespmem:$0x1BD00] =	vst v63  }
0x13: {  	_ =	swait.ge [sflag:s10], $0x7D00  }
0x14: {  	[sflag:s10] =	ssyncset.done $0x0  }
0x15: {  	[sflag:s10] =	ssyncadd.s32 $0xFFFF8300  }
0x16: {  	[tilespmem:s12], [sflag:$0x1] =	stream.indirect.gather [hbm4b:s3+s11], $0x40, s2, s11, $0xb8;
	[tilespmem:$0x1BD00] =	vst v63  }
0x17: {  	_ = 	snop  }
0x18: {  	[tilespmem:s13], [sflag:$0x1] =	stream.indirect.gather [hbm4b:s3+s11], $0x40, s11, s11, $0xb8;
	[tilespmem:$0x1BD00] =	vst v63  }
0x19: {  	s9 =	simm.s32 $0x100  }
0x1a: {  	[tilespmem:s15], [sflag:$0x1] =	stream.indirect.gather [hbm4b:s3+s11], $0x40, s9, s11, $0xb8;
	[tilespmem:$0x1BD00] =	vst v63  }
0x1b: {  	s28 =	simm.s32 $0x180  }
0x1c: {  	[tilespmem:s17], [sflag:$0x1] =	stream.indirect.gather [hbm4b:s3+s11], $0x40, s28, s11, $0xb8;
	[tilespmem:$0x1BD00] =	vst v63  }
0x1d: {  	s30 =	simm.s32 $0x200  }
0x1e: {  	[tilespmem:s19], [sflag:$0x1] =	stream.indirect.gather [hbm4b:s3+s11], $0x40, s30, s11, $0xb8;
	[tilespmem:$0x1BD00] =	vst v63  }
0x1f: {  	_ =	swait.ge [sflag:s20], $0x2000  }
0x20: {  	[sflag:s20] =	ssyncset.done $0x0  }
0x21: {  	[sflag:s20] =	ssyncadd.s32 $0xFFFFE000  }
0x22: {  	_ =	swait.ge [sflag:s20], $0x2000  }
0x23: {  	[sflag:s20] =	ssyncset.done $0x0  }
0x24: {  	[sflag:s20] =	ssyncadd.s32 $0xFFFFE000  }
0x25: {  	_ =	swait.ge [sflag:s20], $0x2000  }
0x26: {  	[sflag:s20] =	ssyncset.done $0x0  }
0x27: {  	[sflag:s20] =	ssyncadd.s32 $0xFFFFE000  }
0x28: {  	_ =	swait.ge [sflag:s20], $0x2000  }
0x29: {  	[sflag:s20] =	ssyncset.done $0x0  }
0x2a: {  	[sflag:s20] =	ssyncadd.s32 $0xFFFFE000  }
0x2b: {  	_ =	swait.ge [sflag:s20], $0x2000  }
0x2c: {  	[sflag:s20] =	ssyncset.done $0x0  }
0x2d: {  	s18 =	simm.s32 $0x280;
	[sflag:s20] =	ssyncadd.s32 $0xFFFFE000  }
0x2e: {  	[tilespmem:s22], [sflag:$0x2] =	stream.indirect.gather [hbm4b:s3+s11], $0x40, s18, s11, $0xb8;
	[tilespmem:$0x1BD00] =	vst v63  }
0x2f: {  	s21 =	simm.s32 $0x300  }
0x30: {  	[tilespmem:s24], [sflag:$0x2] =	stream.indirect.gather [hbm4b:s3+s11], $0x40, s21, s11, $0xb8;
	[tilespmem:$0x1BD00] =	vst v63  }
0x31: {  	s23 =	simm.s32 $0x380  }
0x32: {  	[tilespmem:s26], [sflag:$0x2] =	stream.indirect.gather [hbm4b:s3+s11], $0x40, s23, s11, $0xb8;
	[tilespmem:$0x1BD00] =	vst v63  }
0x33: {  	s28 =	simm.s32 $0x400  }
0x34: {  	[tilespmem:s29], [sflag:$0x2] =	stream.indirect.gather [hbm4b:s3+s11], $0x40, s28, s11, $0xb8;
	[tilespmem:$0x1BD00] =	vst v63  }
0x35: {  	s30 =	simm.s32 $0x480  }
0x36: {  	[tilespmem:s31], [sflag:$0x2] =	stream.indirect.gather [hbm4b:s3+s11], $0x40, s30, s11, $0xb8;
	[tilespmem:$0x1BD00] =	vst v63  }
0x37: {  	_ = 	snop  }
0x38: {  	[hbm4b:s5+s2] =	stream.linear.scatter [tilespmem:s12], [sflag:$0x3], $0xA000, $0x38;
	[tilespmem:$0x1BD00] =	vst v63  }
0x39: {  	_ =	swait.ge [sflag:s1], $0x2000  }
0x3a: {  	[sflag:s1] =	ssyncset.done $0x0  }
0x3b: {  	[sflag:s1] =	ssyncadd.s32 $0xFFFFE000  }
0x3c: {  	_ =	swait.ge [sflag:s1], $0x2000  }
0x3d: {  	[sflag:s1] =	ssyncset.done $0x0  }
0x3e: {  	[sflag:s1] =	ssyncadd.s32 $0xFFFFE000  }
0x3f: {  	_ =	swait.ge [sflag:s1], $0x2000  }
0x40: {  	[sflag:s1] =	ssyncset.done $0x0  }
0x41: {  	[sflag:s1] =	ssyncadd.s32 $0xFFFFE000  }
0x42: {  	_ =	swait.ge [sflag:s1], $0x2000  }
0x43: {  	[sflag:s1] =	ssyncset.done $0x0  }
0x44: {  	[sflag:s1] =	ssyncadd.s32 $0xFFFFE000  }
0x45: {  	_ =	swait.ge [sflag:s1], $0x2000  }
0x46: {  	[sflag:s1] =	ssyncset.done $0x0  }
0x47: {  	[sflag:s1] =	ssyncadd.s32 $0xFFFFE000  }
0x48: {  	_ =	swait.ge [sflag:s0], $0xA000  }
0x49: {  	[sflag:s0] =	ssyncset.done $0x0  }
0x4a: {  	s18 =	simm.s32 $0x500;
	[sflag:s0] =	ssyncadd.s32 $0xFFFF6000  }
0x4b: {  	[tilespmem:s12], [sflag:$0x1] =	stream.indirect.gather [hbm4b:s3+s11], $0x40, s18, s11, $0xb8;
	[tilespmem:$0x1BD00] =	vst v63  }
0x4c: {  	s21 =	simm.s32 $0x580  }
0x4d: {  	[tilespmem:s13], [sflag:$0x1] =	stream.indirect.gather [hbm4b:s3+s11], $0x40, s21, s11, $0xb8;
	[tilespmem:$0x1BD00] =	vst v63  }
0x4e: {  	s23 =	simm.s32 $0x600  }
0x4f: {  	[tilespmem:s15], [sflag:$0x1] =	stream.indirect.gather [hbm4b:s3+s11], $0x40, s23, s11, $0xb8;
	[tilespmem:$0x1BD00] =	vst v63  }
0x50: {  	s28 =	simm.s32 $0x680  }
0x51: {  	[tilespmem:s17], [sflag:$0x1] =	stream.indirect.gather [hbm4b:s3+s11], $0x40, s28, s11, $0xb8;
	[tilespmem:$0x1BD00] =	vst v63  }
0x52: {  	s30 =	simm.s32 $0x700  }
0x53: {  	[tilespmem:s19], [sflag:$0x1] =	stream.indirect.gather [hbm4b:s3+s11], $0x40, s30, s11, $0xb8;
	[tilespmem:$0x1BD00] =	vst v63  }
0x54: {  	_ = 	snop  }
0x55: {  	[hbm4b:s8+s2] =	stream.linear.scatter [tilespmem:s22], [sflag:$0x4], $0xA000, $0x38;
	[tilespmem:$0x1BD00] =	vst v63  }
0x56: {  	_ =	swait.ge [sflag:s20], $0x2000  }
0x57: {  	[sflag:s20] =	ssyncset.done $0x0  }
0x58: {  	[sflag:s20] =	ssyncadd.s32 $0xFFFFE000  }
0x59: {  	_ =	swait.ge [sflag:s20], $0x2000  }
0x5a: {  	[sflag:s20] =	ssyncset.done $0x0  }
0x5b: {  	[sflag:s20] =	ssyncadd.s32 $0xFFFFE000  }
0x5c: {  	_ =	swait.ge [sflag:s20], $0x2000  }
0x5d: {  	[sflag:s20] =	ssyncset.done $0x0  }
0x5e: {  	[sflag:s20] =	ssyncadd.s32 $0xFFFFE000  }
0x5f: {  	_ =	swait.ge [sflag:s20], $0x2000  }
0x60: {  	[sflag:s20] =	ssyncset.done $0x0  }
0x61: {  	[sflag:s20] =	ssyncadd.s32 $0xFFFFE000  }
0x62: {  	_ =	swait.ge [sflag:s20], $0x2000  }
0x63: {  	[sflag:s20] =	ssyncset.done $0x0  }
0x64: {  	[sflag:s20] =	ssyncadd.s32 $0xFFFFE000  }
0x65: {  	_ =	swait.ge [sflag:s14], $0xA000  }
0x66: {  	[sflag:s14] =	ssyncset.done $0x0  }
0x67: {  	s18 =	simm.s32 $0x780;
	[sflag:s14] =	ssyncadd.s32 $0xFFFF6000  }
0x68: {  	[tilespmem:s22], [sflag:$0x2] =	stream.indirect.gather [hbm4b:s3+s11], $0x40, s18, s11, $0xb8;
	[tilespmem:$0x1BD00] =	vst v63  }
0x69: {  	s21 =	simm.s32 $0x800  }
0x6a: {  	[tilespmem:s24], [sflag:$0x2] =	stream.indirect.gather [hbm4b:s3+s11], $0x40, s21, s11, $0xb8;
	[tilespmem:$0x1BD00] =	vst v63  }
0x6b: {  	s23 =	simm.s32 $0x880  }
0x6c: {  	[tilespmem:s26], [sflag:$0x2] =	stream.indirect.gather [hbm4b:s3+s11], $0x40, s23, s11, $0xb8;
	[tilespmem:$0x1BD00] =	vst v63  }
0x6d: {  	s9 =	smov.u32 s25;
	s28 =	simm.s32 $0x900;
	s30 =	simm.s32 $0x980  }
0x6e: {  	[tilespmem:s29], [sflag:$0x2] =	stream.indirect.gather [hbm4b:s3+s11], $0x40, s28, s11, $0xb8;
	[tilespmem:$0x1BD00] =	vst v63  }
0x6f: {  	s18 =	simm.s32 $0x1400;
	s21 =	sadd.s32 $0x2800, s8;
	s23 =	sadd.s32 $0x2800, s25  }
0x70: {  	[tilespmem:s31], [sflag:$0x2] =	stream.indirect.gather [hbm4b:s3+s11], $0x40, s30, s11, $0xb8;
	[tilespmem:$0x1BD00] =	vst v63  }
.LBB2_2:
0x71: {  	[hbm4b:s9+s2] =	stream.linear.scatter [tilespmem:s12], [sflag:$0x3], $0xA000, $0x38;
	[tilespmem:$0x1BD00] =	vst v63  }
0x72: {  	s28 =	smov.u32 s18;
	s9 =	smov.u32 s23  }
0x73: {  	p0 =	sne.s32 s18, $0x1CC00;
	s18 =	sadd.s32 $0x1400, s18;
	_ =	swait.ge [sflag:s1], $0x2000  }
0x74: {  	[sflag:s1] =	ssyncset.done $0x0  }
0x75: {  	[sflag:s1] =	ssyncadd.s32 $0xFFFFE000  }
0x76: {  	_ =	swait.ge [sflag:s1], $0x2000  }
0x77: {  	[sflag:s1] =	ssyncset.done $0x0  }
0x78: {  	[sflag:s1] =	ssyncadd.s32 $0xFFFFE000  }
0x79: {  	_ =	swait.ge [sflag:s1], $0x2000  }
0x7a: {  	[sflag:s1] =	ssyncset.done $0x0  }
0x7b: {  	[sflag:s1] =	ssyncadd.s32 $0xFFFFE000  }
0x7c: {  	_ =	swait.ge [sflag:s1], $0x2000  }
0x7d: {  	[sflag:s1] =	ssyncset.done $0x0  }
0x7e: {  	[sflag:s1] =	ssyncadd.s32 $0xFFFFE000  }
0x7f: {  	_ =	swait.ge [sflag:s1], $0x2000  }
0x80: {  	[sflag:s1] =	ssyncset.done $0x0  }
0x81: {  	[sflag:s1] =	ssyncadd.s32 $0xFFFFE000  }
0x82: {  	_ =	swait.ge [sflag:s0], $0xA000  }
0x83: {  	s28 =	sshra.s32 s28, $0x2;
	[sflag:s0] =	ssyncset.done $0x0  }
0x84: {  	s30 =	sadd.s32 $0x500, s28;
	[sflag:s0] =	ssyncadd.s32 $0xFFFF6000  }
0x85: {  	[tilespmem:s12], [sflag:$0x1] =	stream.indirect.gather [hbm4b:s3+s11], $0x40, s30, s11, $0xb8;
	[tilespmem:$0x1BD00] =	vst v63  }
0x86: {  	s30 =	sadd.s32 $0x580, s28  }
0x87: {  	[tilespmem:s13], [sflag:$0x1] =	stream.indirect.gather [hbm4b:s3+s11], $0x40, s30, s11, $0xb8;
	[tilespmem:$0x1BD00] =	vst v63  }
0x88: {  	s30 =	sadd.s32 $0x600, s28  }
0x89: {  	[tilespmem:s15], [sflag:$0x1] =	stream.indirect.gather [hbm4b:s3+s11], $0x40, s30, s11, $0xb8;
	[tilespmem:$0x1BD00] =	vst v63  }
0x8a: {  	s30 =	sadd.s32 $0x680, s28  }
0x8b: {  	[tilespmem:s17], [sflag:$0x1] =	stream.indirect.gather [hbm4b:s3+s11], $0x40, s30, s11, $0xb8;
	[tilespmem:$0x1BD00] =	vst v63  }
0x8c: {  	s30 =	sadd.s32 $0x700, s28  }
0x8d: {  	[tilespmem:s19], [sflag:$0x1] =	stream.indirect.gather [hbm4b:s3+s11], $0x40, s30, s11, $0xb8;
	[tilespmem:$0x1BD00] =	vst v63  }
0x8e: {  	_ = 	snop  }
0x8f: {  	[hbm4b:s21+s2] =	stream.linear.scatter [tilespmem:s22], [sflag:$0x4], $0xA000, $0x38;
	[tilespmem:$0x1BD00] =	vst v63  }
0x90: {  	_ =	swait.ge [sflag:s20], $0x2000  }
0x91: {  	[sflag:s20] =	ssyncset.done $0x0  }
0x92: {  	[sflag:s20] =	ssyncadd.s32 $0xFFFFE000  }
0x93: {  	_ =	swait.ge [sflag:s20], $0x2000  }
0x94: {  	[sflag:s20] =	ssyncset.done $0x0  }
0x95: {  	[sflag:s20] =	ssyncadd.s32 $0xFFFFE000  }
0x96: {  	_ =	swait.ge [sflag:s20], $0x2000  }
0x97: {  	[sflag:s20] =	ssyncset.done $0x0  }
0x98: {  	[sflag:s20] =	ssyncadd.s32 $0xFFFFE000  }
0x99: {  	_ =	swait.ge [sflag:s20], $0x2000  }
0x9a: {  	[sflag:s20] =	ssyncset.done $0x0  }
0x9b: {  	[sflag:s20] =	ssyncadd.s32 $0xFFFFE000  }
0x9c: {  	_ =	swait.ge [sflag:s20], $0x2000  }
0x9d: {  	[sflag:s20] =	ssyncset.done $0x0  }
0x9e: {  	[sflag:s20] =	ssyncadd.s32 $0xFFFFE000  }
0x9f: {  	_ =	swait.ge [sflag:s14], $0xA000  }
0xa0: {  	[sflag:s14] =	ssyncset.done $0x0  }
0xa1: {  	s30 =	sadd.s32 $0x780, s28;
	[sflag:s14] =	ssyncadd.s32 $0xFFFF6000  }
0xa2: {  	[tilespmem:s22], [sflag:$0x2] =	stream.indirect.gather [hbm4b:s3+s11], $0x40, s30, s11, $0xb8;
	[tilespmem:$0x1BD00] =	vst v63  }
0xa3: {  	s30 =	sadd.s32 $0x800, s28  }
0xa4: {  	[tilespmem:s24], [sflag:$0x2] =	stream.indirect.gather [hbm4b:s3+s11], $0x40, s30, s11, $0xb8;
	[tilespmem:$0x1BD00] =	vst v63  }
0xa5: {  	s30 =	sadd.s32 $0x880, s28  }
0xa6: {  	[tilespmem:s26], [sflag:$0x2] =	stream.indirect.gather [hbm4b:s3+s11], $0x40, s30, s11, $0xb8;
	[tilespmem:$0x1BD00] =	vst v63  }
.Ltmp0:
0xa7: {  	s30 =	sadd.s32 $0x900, s28;
	(pc) =	sbr.rel @p0 .LBB2_2-.Ltmp0, $4  }
0xa8: {  	[tilespmem:s29], [sflag:$0x2] =	stream.indirect.gather [hbm4b:s3+s11], $0x40, s30, s11, $0xb8;
	[tilespmem:$0x1BD00] =	vst v63  }
0xa9: {  	s28 =	sadd.s32 $0x980, s28  }
0xaa: {  	[tilespmem:s31], [sflag:$0x2] =	stream.indirect.gather [hbm4b:s3+s11], $0x40, s28, s11, $0xb8;
	[tilespmem:$0x1BD00] =	vst v63  }
0xab: {  	s23 =	sadd.s32 $0x2800, s23;
	s21 =	sadd.s32 $0x2800, s21  }
0xac: {  	[hbm4b:s9+s2] =	stream.linear.scatter [tilespmem:s12], [sflag:$0x3], $0xA000, $0x38;
	[tilespmem:$0x1BD00] =	vst v63  }
0xad: {  	_ =	swait.ge [sflag:s1], $0x2000  }
0xae: {  	[sflag:s1] =	ssyncset.done $0x0  }
0xaf: {  	[sflag:s1] =	ssyncadd.s32 $0xFFFFE000  }
0xb0: {  	_ =	swait.ge [sflag:s1], $0x2000  }
0xb1: {  	[sflag:s1] =	ssyncset.done $0x0  }
0xb2: {  	[sflag:s1] =	ssyncadd.s32 $0xFFFFE000  }
0xb3: {  	_ =	swait.ge [sflag:s1], $0x2000  }
0xb4: {  	[sflag:s1] =	ssyncset.done $0x0  }
0xb5: {  	[sflag:s1] =	ssyncadd.s32 $0xFFFFE000  }
0xb6: {  	_ =	swait.ge [sflag:s1], $0x2000  }
0xb7: {  	[sflag:s1] =	ssyncset.done $0x0  }
0xb8: {  	[sflag:s1] =	ssyncadd.s32 $0xFFFFE000  }
0xb9: {  	_ =	swait.ge [sflag:s1], $0x2000  }
0xba: {  	[sflag:s1] =	ssyncset.done $0x0  }
0xbb: {  	[sflag:s1] =	ssyncadd.s32 $0xFFFFE000  }
0xbc: {  	s16 =	sadd.s32 $0x1, s16;
	_ =	swait.ge [sflag:s0], $0xA000  }
0xbd: {  	p0 =	sne.s32 s16, s7;
	[sflag:s0] =	ssyncset.done $0x0  }
.Ltmp1:
0xbe: {  	[sflag:s0] =	ssyncadd.s32 $0xFFFF6000;
	(pc) =	sbr.rel @p0 .LBB2_1-.Ltmp1, $4  }
0xbf: {  	[hbm4b:s6+s2] =	stream.linear.scatter [tilespmem:s22], [sflag:$0x4], $0xA000, $0x38;
	[tilespmem:$0x1BD00] =	vst v63  }
0xc0: {  	_ =	swait.ge [sflag:s14], $0xA000  }
0xc1: {  	[sflag:s14] =	ssyncset.done $0x0  }
0xc2: {  	[sflag:s14] =	ssyncadd.s32 $0xFFFF6000  }
0xc3: {  	_ =	sfence.sel $0x180000  }
0xc4: {  	[bflag:$0x0] =	sbarrier.arrive $0xFFFF  }
0xc5: {  	_ =	strace $0x90000047  }
0xc6: {  	s0 =	stileid.u32;
	[bflag:$0x2] =	sbarrier.arrive $0xFFFF  }
0xc7: {  	p0 =	sne.s32 s0, $0x0;
	s0 =	rddreg [dreg:$0x2]  }
0xc8: {  	s0 =	sadd.s32 @!p0 $0x100000, s0  }
0xc9: {  	[sflag:s0] =	ssyncadd.tile.s32 @!p0 $0x1;
	_ =	shalt  }
.Lfunc_end2:
_tile_overlayer_lowered:
.L_overlay_start_2:
0xca: {  	(tag) =	ssettag $0x2  }
0xcb: {  	s0 =	rddreg [dreg:$0x0];
	s2 =	stileid.u32  }
0xcc: {  	s1 =	rddreg [dreg:$0x1];
	p0 =	sne.s32 s2, $0x0  }
0xcd: {  	s3 =	rddreg [dreg:$0x2];
	[bflag:$0x3] =	sbarrier.arrive $0xFFFF;
	s2 =	simm.s32 @!p0 $0x1C05  }
0xce: {  	[timem:s3], [sflag:s2] =	dma.local @!p0 [hbm:s0], s1  }
0xcf: {  	s0 =	simm.s32 @!p0 $0x5  }
0xd0: {  	_ =	swait.ge @!p0 [sflag:s0], s1  }
0xd1: {  	s1 =	ssub.s32 @!p0 $0x0, s1;
	[sflag:s0] =	ssyncset.done @!p0 $0x0  }
0xd2: {  	[sflag:s0] =	ssyncadd.s32 @!p0 s1  }
0xd3: {  	[bflag:$0x3] =	sbarrier.arrive $0xFFFF  }
0xd4: {  	_ =	shalt  }

// kernel: sparse-core-data-format-call.cloned.1.call-start
scs
called_computation_lowered:
.L_overlay_start_0:
0x0: {  	s2 =	sld [smem:$0x3FD9]  }
0x1: {  	s3 =	sld [smem:$0x3FFE];
	_ =	sdelay $0x1  }
0x2: {  	s1 =	srdreg.scid  }
0x3: {  	s0 =	sand.u32 $0x1, s1  }
0x4: {  	s18 =	sshll.u32 s0, $0xA;
	s2 =	sadd.s32 s3, s2  }
0x5: {  	s2 =	sadd.s32 s2, s18  }
0x6: {  	[smem:$0x3FC6] =	sst s2  }
0x7: {  	_ = 	snop  }
0x8: {  	s2 =	sld [smem:$0x3FD0];
	(tm) =	ssettm $0x1  }
0x9: {  	s19 =	sld [smem:$0x3FFB];
	_ =	sdelay $0x3  }
0xa: {  	_ =	strace s19  }
0xb: {  	s3 =	sld [smem:$0x3FFC];
	_ =	sdelay $0x3  }
0xc: {  	_ =	strace s3  }
0xd: {  	s3 =	sld [smem:$0x3FFD];
	_ =	sdelay $0x3  }
0xe: {  	_ =	strace s3  }
0xf: {  	_ =	strace $0x8FFFFFFF  }
0x10: {  	s20 =	sld [smem:$0x3FDB];
	_ =	sdelay $0x1  }
0x11: {  	s4 =	simm.s32 $_scs_section_size  }
0x12: {  	s5 =	simm.s32 $_size__tile_overlayer_lowered;
	s6 =	simm.s32 $_tile_overlayer_lowered  }
0x13: {  	s23 =	simm.s32 $0x1BFF;
	s22 =	sshll.u32 s6, $0x1;
	s3 =	sadd.s32 s4, s20  }
0x14: {  	s7 =	simm.s32 $0x0;
	s21 =	sshll.u32 s5, $0x1;
	s5 =	sadd.s32 s22, s3  }
0x15: {  	[timem:s7], [sflag:s23] =	dma.local [hbm:s5], s21  }
0x16: {  	_ =	swait.ge [sflag:s23], s21  }
0x17: {  	s4 =	ssub.s32 $0x0, s21;
	[sflag:s23] =	ssyncset.done $0x0  }
0x18: {  	[sflag:s23] =	ssyncadd.s32 s4;
	_ =	sdelay $0x1  }
0x19: {  	s24 =	simm.s32 $0x1B8B  }
0x1a: {  	_ =	swait.ge [sflag:s24], $0x1  }
0x1b: {  	[sflag:s24] =	ssyncset.done $0x0  }
0x1c: {  	s26 =	simm.s32 $0x1B8E;
	s25 =	sld [smem:$0x3FFE];
	[sflag:s24] =	ssyncadd.s32 $0xFFFFFFFF  }
0x1d: {  	s27 =	simm.s32 $execute0_lowered;
	[smem:$0x3FD2] =	sst s26  }
0x1e: {  	s5 =	sshll.u32 s27, $0x1;
	_ =	strace $0x80000049;
	[dreg:$0x1] =	wrdreg $0xFFFFFFFF  }
0x1f: {  	s28 =	simm.s32 $_size_execute0_lowered;
	s3 =	sadd.s32 s3, s5;
	[dreg:$0x0] =	wrdreg $0x0  }
0x20: {  	s5 =	sshll.u32 s28, $0x1;
	[dreg:$0x2] =	wrdreg s3  }
0x21: {  	[dreg:$0x3] =	wrdreg s5  }
0x22: {  	[dreg:$0x4] =	wrdreg $0xC0  }
0x23: {  	_ =	task [dreg:s7], $0x5FFFF  }
0x24: {  	[dreg:$0x1] =	wrdreg $0xFFFFFFFF  }
0x25: {  	[dreg:$0x0] =	wrdreg $0x60  }
0x26: {  	[dreg:$0x2] =	wrdreg s25  }
0x27: {  	[dreg:$0x3] =	wrdreg s2  }
0x28: {  	[dreg:$0x4] =	wrdreg $0x9  }
0x29: {  	_ =	task.clear_ibuf [dreg:s7], $0x5FFFF;
	_ =	strace $0x90000049  }
0x2a: {  	s29 =	simm.s32 $0x9;
	_ =	strace $0x8000004B  }
0x2b: {  	_ =	swait.ge [sflag:s29], $0x1  }
0x2c: {  	[sflag:s29] =	ssyncadd.s32 $0xFFFFFFFF  }
0x2d: {  	_ =	strace $0x9000004B  }
0x2e: {  	_ =	sfence  }
0x2f: {  	s30 =	sld [smem:$0x0];
	_ =	sdelay $0x2  }
0x30: {  	s31 =	sshll.u32 s1, $0xD;
	s1 =	sshrl.u32 s1, $0x2  }
0x31: {  	s3 =	sand.u32 $0x4000, s31;
	s1 =	sadd.s32 s1, s30  }
0x32: {  	s0 =	sor.u32 s3, s0;
	s1 =	sshll.u32 s1, $0x11  }
0x33: {  	s0 =	sor.u32 s1, s0  }
0x34: {  	s0 =	sadd.s32 $0x8F2B, s0  }
0x35: {  	[sflag:s0] =	ssyncadd.remote.s32 $0x1  }
0x36: {  	_ =	sfence.sel $0xFFFF  }
0x37: {  	[dreg:$0x0] =	wrdreg $0xFFFFFFFF;
	(pc) =	sbr.abs _section_cstart, $3  }
0x38: {  	[dreg:$0x1] =	wrdreg $0xFFFFFFFF  }
0x39: {  	_ =	task.clear_ibuf [dreg:s7], $0x2FFFF;
	_ =	strace $0x9FFFFFFF  }
0x3a: {  	(tm) =	ssettm $0x7FFFFFFF  }
0x3b: {  	_ =	shalt  }
tec
execute0_lowered:
.L_overlay_start_1:
0x0: {  	(tag) =	ssettag $0x1  }
0x1: {  	s0 =	srdreg.scid  }
0x2: {  	s1 =	sshll.u32 s0, $0x4  }
0x3: {  	s4 =	rddreg [dreg:$0x0];
	s0 =	stileid.u32;
	s1 =	sand.u32 $0x10, s1  }
0x4: {  	s2 =	rddreg [dreg:$0x1];
	s7 =	simm.s32 $0x1;
	s1 =	sor.u32 s0, s1  }
0x5: {  	s8 =	simm.s32 $0x2;
	s11 =	simm.s32 $0x0;
	s3 =	sshll.u32 s1, $0x7  }
0x6: {  	s10 =	simm.s32 $0x0;
	s4 =	sadd.s32 $0x800, s4;
	s6 =	ssub.s32 $0xFA000, s3  }
.Ltmp0:
0x7: {  	s1 =	rddreg [dreg:$0x2];
	s5 =	sand.u32 $0xF80, s6;
	(pc) =	sbr.rel .LBB1_1-.Ltmp0, $4  }
0x8: {  	_ =	strace $0x8000004A;
	s9 =	smov.u32 s3;
	p0 =	sne.s32 s5, $0x0  }
0x9: {  	s6 =	sshrl.u32 s6, $0xC;
	s5 =	simm.s32 $0x1;
	s7 =	simm.s32 @!p0 $0x0  }
0xa: {  	[sflag:s5] =	ssyncpa.u1 $0x0;
	p0 =	por $0x0, $0x0;
	s6 =	sadd.s32 s7, s6  }
0xb: {  	[sflag:s8] =	ssyncpa.u1 $0x0;
	s8 =	simm.s32 $0x7D0000;
	s7 =	sadd.s32 $0x1, s6  }
.LBB1_4:
0xc: {  	s14 =	sshll.u32 s11, $0x3  }
0xd: {  	s30 =	sand.u32 $0x7F, s11;
	s15 =	sand.u32 $0xFFFFFC00, s14  }
0xe: {  	s11 =	sor.u32 s30, s15  }
0xf: {  	s15 =	smulhi.u32 $0x10624DD3, s11  }
0x10: {  	s14 =	smulhi.u32 $0x10624DD3, s14  }
0x11: {  	s15 =	sshrl.u32 s15, $0x10  }
0x12: {  	s14 =	sshrl.u32 s14, $0x10;
	s15 =	smul.u32 $0xFA000, s15  }
0x13: {  	s14 =	sand.u32 $0x3F, s14  }
0x14: {  	s14 =	smul.u32 $0x1F400, s14;
	s11 =	ssub.s32 s11, s15  }
0x15: {  	[tilespmem:s13+$0x810 ss:$0x81] =	vst.msk $0xffff, v2;
	s15 =	sand.u32 $0x7, s11  }
0x16: {  	[tilespmem:s13+$0x1020 ss:$0x81] =	vst.msk $0xffff, v0;
	s14 =	sadd.s32 s2, s14;
	s11 =	sshrl.u32 s11, $0x3;
	s15 =	sshll.u32 s15, $0x12  }
0x17: {  	[tilespmem:s13+$0x0 ss:$0x81] =	vst.msk $0xffff, v1;
	s11 =	sadd.s32 s11, s14;
	s31 =	sor.u32 $0x400, s15  }
0x18: {  	[hbm4b:s11+s31] =	stream.strided.scatter [tilespmem:s12], [sflag:$0x2], $0x2000, s8, s31, $0x20;
	[tilespmem:$0x8080] =	vst v63  }
.LBB1_5:
0x19: {  	s13 =	sadd.s32 $0x1000, s9  }
0x1a: {  	p2 =	sgt.s32 s13, $0xF9FFF  }
0x1b: {  	s13 =	smov.u32 @p2 s3;
	p2 =	sne.s32 s10, s7  }
.Ltmp1:
0x1c: {  	p1 =	slt.u32 s10, $0x2;
	(pc) =	sbr.rel @!p2 .LBB1_6-.Ltmp1, $4  }
0x1d: {  	s12 =	simm.s32 @!p1 $0x2  }
0x1e: {  	s14 =	sadd.s32 $0x1, s10;
	_ =	swait.ge @!p1 [sflag:s12], $0x2000  }
0x1f: {  	s11 =	smov.u32 s9;
	p0 =	por !p0, !p0;
	[sflag:s12] =	ssyncset.done @!p1 $0x0  }
0x20: {  	s10 =	smov.u32 s14;
	s9 =	smov.u32 s13;
	[sflag:s12] =	ssyncadd.s32 @!p1 $0xFFFFE000  }
.LBB1_1:
0x21: {  	p1 =	sge.u32 s10, s6  }
0x22: {  	s12 =	sand.u32 @!p1 $0x1FFFFFF, s9  }
0x23: {  	s13 =	smulhi.u32 @!p1 $0x20C49BB, s12;
	_ =	sdelay $0x1  }
0x24: {  	s13 =	sshrl.u32 @!p1 s13, $0xD  }
0x25: {  	s13 =	smul.u32 @!p1 $0xFA000, s13;
	_ =	sdelay $0x1  }
0x26: {  	s31 =	sadd.s32 $0xFFFFFFFF, s10;
	s14 =	sxor.u32 @!p1 $0xFFFFFFFF, s10;
	s12 =	ssub.s32 @!p1 s12, s13  }
0x27: {  	s15 =	simm.s32 @!p1 $0x80;
	s14 =	sshll.u32 @!p1 s14, $0xD;
	s12 =	sshll.u32 @!p1 s12, $0x4  }
0x28: {  	s13 =	sand.u32 @!p1 $0x2000, s14;
	s14 =	simm.s32 @!p1 $0x40;
	s12 =	sadd.s32 @!p1 s4, s12  }
0x29: {  	[tilespmem:s13], [sflag:$0x1] =	stream.strided.gather @!p1 [hbm4b:s12+s14], $0x2000, s15, s14, $0x38;
	[tilespmem:$0x8080] =	vst v63  }
0x2a: {  	p1 =	sge.u32 s31, s6  }
.Ltmp2:
0x2b: {  	_ = 	snop;
	(pc) =	sbr.rel @p1 .LBB1_5-.Ltmp2, $1  }
0x2c: {  	_ =	sdelay $0x3  }
0x2d: {  	s12 =	simm.s32 $0x1  }
0x2e: {  	_ =	swait.ge [sflag:s5], $0x2000;
	s12 =	simm.s32 @!p0 $0x0  }
0x2f: {  	[sflag:s5] =	ssyncset.done $0x0;
	s13 =	sshll.u32 s12, $0xD  }
0x30: {  	[sflag:s5] =	ssyncadd.s32 $0xFFFFE000;
	s16 =	sor.u32 $0x20, s13  }
0x31: {  	s12 =	smul.u32 $0x8100, s12;
	v3 =	vld [tilespmem:s16+$0x10]  }
0x32: {  	s30 =	sand.u32 $0x1, s10;
	v2 =	vld [tilespmem:s16+$0xFFFFFFF0]  }
0x33: {  	s13 =	smul.u32 $0x8100, s30;
	s12 =	sshrl.u32 s12, $0x2;
	v0 =	vld [tilespmem:s16+$0x0]  }
0x34: {  	v1 =	vld [tilespmem:s16+$0xFFFFFFE0];
	s14 =	sor.u32 $0x4000, s12  }
0x35: {  	s31 =	sshrl.u32 s13, $0x2;
	s13 =	sadd.s32 $0x0, s14  }
0x36: {  	s15 =	simm.s32 $0x4;
	s16 =	sadd.s32 $0x40, s16;
	s12 =	sor.u32 $0x4000, s31;
	[tilespmem:s13+$0x1830 ss:$0x81] =	vst.msk $0xffff, v3  }
.LBB1_3:
0x37: {  	v3 =	vld [tilespmem:s16+$0x10];
	p1 =	sne.s32 s15, $0x1FC;
	[tilespmem:s13+$0x810 ss:$0x81] =	vst.msk $0xffff, v2;
	s17 =	smov.u32 s15;
	s15 =	sadd.s32 $0x4, s15  }
.Ltmp3:
0x38: {  	v2 =	vld [tilespmem:s16+$0xFFFFFFF0];
	[tilespmem:s13+$0x1020 ss:$0x81] =	vst.msk $0xffff, v0;
	(pc) =	sbr.rel @p1 .LBB1_3-.Ltmp3, $4  }
0x39: {  	v0 =	vld [tilespmem:s16+$0x0];
	[tilespmem:s13+$0x0 ss:$0x81] =	vst.msk $0xffff, v1  }
0x3a: {  	s13 =	sshra.s32 s17, $0x2;
	v1 =	vld [tilespmem:s16+$0xFFFFFFE0]  }
0x3b: {  	s13 =	sadd.s32 s13, s14  }
0x3c: {  	s16 =	sadd.s32 $0x40, s16;
	[tilespmem:s13+$0x1830 ss:$0x81] =	vst.msk $0xffff, v3  }
.Ltmp4:
0x3d: {  	_ = 	snop;
	(pc) =	sbr.rel .LBB1_4-.Ltmp4, $1  }
0x3e: {  	_ =	sdelay $0x3  }
.LBB1_6:
0x3f: {  	_ =	sfence.sel $0x180000  }
0x40: {  	s2 =	simm.s32 $0x1;
	[bflag:$0x0] =	sbarrier.arrive $0xFFFF  }
0x41: {  	s31 =	simm.s32 $0x2;
	[sflag:s2] =	ssyncpa.u1 $0x1  }
0x42: {  	[sflag:s31] =	ssyncpa.u1 $0x1  }
0x43: {  	p0 =	sne.s32 s0, $0x0;
	_ =	strace $0x9000004A  }
0x44: {  	s0 =	sadd.s32 @!p0 $0x100000, s1;
	[bflag:$0x2] =	sbarrier.arrive $0xFFFF  }
0x45: {  	[sflag:s0] =	ssyncadd.tile.s32 @!p0 $0x1;
	_ =	shalt  }
.Lfunc_end1:
_tile_overlayer_lowered:
.L_overlay_start_2:
0x46: {  	(tag) =	ssettag $0x2  }
0x47: {  	s0 =	rddreg [dreg:$0x0];
	s2 =	stileid.u32  }
0x48: {  	s1 =	rddreg [dreg:$0x1];
	p0 =	sne.s32 s2, $0x0  }
0x49: {  	s3 =	rddreg [dreg:$0x2];
	[bflag:$0x3] =	sbarrier.arrive $0xFFFF;
	s2 =	simm.s32 @!p0 $0x1C01  }
0x4a: {  	[timem:s3], [sflag:s2] =	dma.local @!p0 [hbm:s0], s1  }
0x4b: {  	s0 =	simm.s32 @!p0 $0x1  }
0x4c: {  	_ =	swait.ge @!p0 [sflag:s0], s1  }
0x4d: {  	s1 =	ssub.s32 @!p0 $0x0, s1;
	[sflag:s0] =	ssyncset.done @!p0 $0x0  }
0x4e: {  	[sflag:s0] =	ssyncadd.s32 @!p0 s1  }
0x4f: {  	[bflag:$0x3] =	sbarrier.arrive $0xFFFF  }
0x50: {  	_ =	shalt  }

</sc_bundles>
